<compile_context>
chip_gen: v7x
topology: tpu7x:2x2x1
jax: 0.10.2.dev20260603
libtpu: 0.0.44.dev20260713+nightly
codegen_flags: <defaults>
</compile_context>

<pallas_src>
import functools
import jax
import jax.numpy as jnp
from jax import lax
from jax.experimental import pallas as pl
from jax.experimental.pallas import tpu as pltpu
from jax.experimental.pallas import tpu_sc as plsc

STATE_DIM = 64
K = 10

NW = 32
MEM_ROWS = 1000000
TC_BLOCK = 25000
W_MEM = MEM_ROWS // NW
DBUF_WORDS = 31264
BUF_ROWS_PAD = 10240
W_BUF = BUF_ROWS_PAD // NW
BUF_WORDS = W_BUF * STATE_DIM
BUF_GROUPS = 20
MEM_GROUPS = (W_MEM + 63) // 64


def _merge_step(lane, d2, nvalid, carry):
    best, thresh = carry
    d2 = jnp.where(lane < nvalid, d2, jnp.float32(jnp.inf))
    m = jnp.min(d2)

    def merge(ops):
        bb, dd = ops
        srt, _ = plsc.sort_key_val(dd, dd)
        cand = jnp.minimum(bb, lax.rev(srt, (0,)))
        nb, _ = plsc.sort_key_val(cand, cand)
        return nb, jnp.max(nb)

    def keep(ops):
        return ops[0], thresh

    return lax.cond(m < thresh, merge, keep, (best, d2))


def _buf_group_body(buf_ref, hs_ref, s0, s1, s2, s3, nrows):
    lane = lax.iota(jnp.int32, 16)

    def body(g, carry):
        base = g * (16 * STATE_DIM)
        for r in range(16):
            off = base + r * STATE_DIM
            a = buf_ref[pl.ds(off, 16)] - s0
            b = buf_ref[pl.ds(off + 16, 16)] - s1
            c = buf_ref[pl.ds(off + 32, 16)] - s2
            d = buf_ref[pl.ds(off + 48, 16)] - s3
            hs_ref[pl.ds(r * 16, 16)] = a * a + b * b + c * c + d * d
        parts = [plsc.load_gather(hs_ref, [lane * 16 + l]) for l in range(16)]
        while len(parts) > 1:
            parts = [parts[i] + parts[i + 1] for i in range(0, len(parts), 2)]
        return _merge_step(lane, parts[0], nrows - g * 16, carry)

    return body


def _sc_topk(d2_flat, buf_flat, state):
    mesh = plsc.VectorSubcoreMesh(core_axis_name="c", subcore_axis_name="s")

    @functools.partial(
        pl.kernel,
        mesh=mesh,
        out_type=[
            jax.ShapeDtypeStruct((NW, 16), jnp.float32),
            jax.ShapeDtypeStruct((NW, 16), jnp.float32),
        ],
        scratch_types=[
            pltpu.VMEM((DBUF_WORDS + 64,), jnp.float32),
            pltpu.VMEM((256,), jnp.float32),
            pltpu.VMEM((STATE_DIM,), jnp.float32),
            pltpu.VMEM((16,), jnp.float32),
        ],
        compiler_params=pltpu.CompilerParams(needs_layout_passes=False),
    )
    def k(d2_hbm, buf_hbm, state_hbm, out_mem, out_buf, work, hs, sv, ob):
        wid = lax.axis_index("c") * 16 + lax.axis_index("s")
        lane = lax.iota(jnp.int32, 16)
        inf16 = jnp.full((16,), jnp.inf, jnp.float32)

        pltpu.sync_copy(state_hbm, sv)
        s0 = sv[pl.ds(0, 16)]
        s1 = sv[pl.ds(16, 16)]
        s2 = sv[pl.ds(32, 16)]
        s3 = sv[pl.ds(48, 16)]
        pltpu.sync_copy(buf_hbm.at[pl.ds(wid * BUF_WORDS, BUF_WORDS)],
                        work.at[pl.ds(0, BUF_WORDS)])
        best_b, _ = lax.fori_loop(
            0, BUF_GROUPS, _buf_group_body(work, hs, s0, s1, s2, s3, W_BUF),
            (inf16, jnp.float32(jnp.inf)))
        ob[...] = best_b
        pltpu.sync_copy(ob, out_buf.at[wid])

        off = wid * W_MEM
        start = pl.multiple_of(
            jnp.minimum(off - lax.rem(off, 8), MEM_ROWS - DBUF_WORDS), 8)
        local = off - start
        pltpu.sync_copy(d2_hbm.at[pl.ds(start, DBUF_WORDS)],
                        work.at[pl.ds(0, DBUF_WORDS)])

        def fold(bb, dd):
            srt, _ = plsc.sort_key_val(dd, dd)
            cand = jnp.minimum(bb, lax.rev(srt, (0,)))
            nb, _ = plsc.sort_key_val(cand, cand)
            return nb

        def mbody(g, carry):
            best, thresh = carry
            base = local + g * 64
            nv = W_MEM - g * 64
            vs = [jnp.where(lane < nv - j * 16,
                            work[pl.ds(base + j * 16, 16)],
                            jnp.float32(jnp.inf)) for j in range(4)]
            mn = jnp.minimum(jnp.minimum(vs[0], vs[1]),
                             jnp.minimum(vs[2], vs[3]))
            m = jnp.min(mn)

            def merge(ops):
                bb, v4 = ops
                for v in v4:
                    bb = fold(bb, v)
                return bb, jnp.max(bb)

            def keep(ops):
                return ops[0], thresh

            return lax.cond(m < thresh, merge, keep, (best, vs))

        best_m, _ = lax.fori_loop(0, MEM_GROUPS, mbody,
                                  (inf16, jnp.float32(jnp.inf)))
        ob[...] = best_m
        pltpu.sync_copy(ob, out_mem.at[wid])

    return k(d2_flat, buf_flat, state)


def _dist2_body(x_ref, s_ref, o_ref):
    x = x_ref[...]
    s = s_ref[...]
    d = x - s
    q = d * d
    ones = jnp.ones((1, STATE_DIM), jnp.float32)
    o_ref[...] = lax.dot_general(ones, q, (((1,), (1,)), ((), ())))[None]


def _dist2(mem, s2):
    grid = MEM_ROWS // TC_BLOCK
    return pl.pallas_call(
        _dist2_body,
        grid=(grid,),
        in_specs=[
            pl.BlockSpec((TC_BLOCK, STATE_DIM), lambda i: (i, 0)),
            pl.BlockSpec((1, STATE_DIM), lambda i: (0, 0)),
        ],
        out_specs=pl.BlockSpec((1, 1, TC_BLOCK), lambda i: (i, 0, 0)),
        out_shape=jax.ShapeDtypeStruct((grid, 1, TC_BLOCK), jnp.float32),
    )(mem, s2)


def _topk_sum(arr, k, f):
    shape = arr.shape
    pos = (lax.broadcasted_iota(jnp.int32, shape, 0) * shape[1]
           + lax.broadcasted_iota(jnp.int32, shape, 1))
    acc = jnp.float32(0.0)
    for _ in range(k):
        m = jnp.min(arr)
        cand = jnp.where(arr == m, pos, jnp.int32(2**30))
        j = jnp.min(cand)
        arr = jnp.where(pos == j, jnp.inf, arr)
        acc = acc + f(m)
    return acc


def _final_body(mem_ref, buf_ref, o_ref):
    mem = mem_ref[...]
    buf = buf_ref[...]
    nov = _topk_sum(buf, K, lambda m: jnp.sqrt(m)) / K
    rel = _topk_sum(mem, K, lambda m: 1.0 / (jnp.sqrt(m) + 1e-6)) / K
    o_ref[...] = jnp.full((8, 128), nov * rel, jnp.float32)


def kernel(state, action, state_buffer, memory_keys):
    buf_pad = jnp.pad(state_buffer, ((0, BUF_ROWS_PAD - state_buffer.shape[0]),
                                     (0, 0)), constant_values=1e9)
    d2 = _dist2(memory_keys, state.reshape(1, STATE_DIM)).reshape(-1)
    best_mem, best_buf = _sc_topk(d2, buf_pad.reshape(-1), state)
    out = pl.pallas_call(
        _final_body,
        out_shape=jax.ShapeDtypeStruct((8, 128), jnp.float32),
    )(best_mem, best_buf)
    return out[0, 0]

# --- scband reference (transcript-rebuilt; emitter-appended) ---
"""Pipeline reference for scband-curiosity-module-24524263260934 (READ-ONLY COPY).

The authoritative reference and input builder live on the scoring server;
editing this copy changes nothing except your own understanding.
"""

import jax, jax.numpy as jnp
import numpy as np

STATE_DIM = 64
ACTION_DIM = 32
BUFFER_SIZE = 10000
MEMORY_SIZE = 1000000
K_NOVELTY = 10
K_QUERY = 10


def setup_inputs(seed: int = 0) -> dict:
    key = jax.random.key(seed)
    k1, k2, k3, k4 = jax.random.split(key, 4)
    state = jax.random.normal(k1, (STATE_DIM,), dtype=jnp.float32)
    action = jax.random.normal(k2, (ACTION_DIM,), dtype=jnp.float32)
    state_buffer = jax.random.normal(k3, (BUFFER_SIZE, STATE_DIM), dtype=jnp.float32)
    memory_keys = jax.random.normal(k4, (MEMORY_SIZE, STATE_DIM), dtype=jnp.float32)
    return {"state": state, "action": action, "state_buffer": state_buffer, "memory_keys": memory_keys}


def reference(state, action, state_buffer, memory_keys):
    # flatten state (already 1-D here, but keep the faithful reshape)
    flat_state = state.reshape(-1)

    # --- get_novelty (continuous branch): mean of k nearest distances in state buffer ---
    buf_dist = jnp.linalg.norm(state_buffer - flat_state[None, :], axis=1)
    neg_topk, _ = jax.lax.top_k(-buf_dist, K_NOVELTY)  # smallest distances
    novelty = jnp.mean(-neg_topk)

    # --- get_memory_relevance: kNN query against episodic memory keys ---
    mem_dist = jnp.linalg.norm(memory_keys - flat_state[None, :], axis=1)
    _, indices = jax.lax.top_k(-mem_dist, K_QUERY)  # indices of nearest keys
    sel_dist = jnp.linalg.norm(memory_keys[indices] - flat_state[None, :], axis=1)
    relevance = jnp.mean(1.0 / (sel_dist + 1e-06))

    # --- temporal score and total curiosity bonus ---
    temporal = 1.0
    curiosity_bonus = novelty * relevance * temporal
    return curiosity_bonus

if __name__ == "__main__":
    import jax
    _d = setup_inputs()
    print(jax.jit(kernel)(*tuple(_d.values())))

</pallas_src>

<mosaic_0001>
#map = affine_map<(d0, d1) -> (0)>
#map1 = affine_map<(d0, d1) -> (0, 0)>
module attributes {stable_mosaic.version = 14 : i64} {
  func.func @k(%arg0: i32, %arg1: i32, %arg2: memref<1000000xf32, #tpu.memory_space<hbm>>, %arg3: memref<655360xf32, #tpu.memory_space<hbm>>, %arg4: memref<64xf32, #tpu.memory_space<hbm>>, %arg5: memref<32x16xf32, #tpu.memory_space<hbm>>, %arg6: memref<32x16xf32, #tpu.memory_space<hbm>>, %arg7: memref<31328xf32, #tpu.memory_space<vmem>>, %arg8: memref<256xf32, #tpu.memory_space<vmem>>, %arg9: memref<64xf32, #tpu.memory_space<vmem>>, %arg10: memref<16xf32, #tpu.memory_space<vmem>>) attributes {dimension_semantics = [#tpu.dimension_semantics<core_parallel>, #tpu.dimension_semantics<subcore_parallel>], iteration_bounds = array<i64: 2, 16>, scalar_prefetch = 0 : i64, scratch_operands = 4 : i64, tpu.core_type = #tpu.core_type<sc_vector_subcore>, window_params = [{transform_indices = #map}, {transform_indices = #map}, {transform_indices = #map}, {transform_indices = #map1}, {transform_indices = #map1}]} {
    %mul3A = arith.constant 16 : i32
    %mul3A_0 = arith.muli %arg0, %mul3A : i32
    %add3A = arith.addi %mul3A_0, %arg1 : i32
    %iota3A = tpu.iota {dimensions = array<i32: 0>} : vector<16xi32>
    %broadcast_in_dim3A = arith.constant 0x7F800000 : f32
    %broadcast_in_dim3A_1 = vector.broadcast %broadcast_in_dim3A : f32 to vector<16xf32>
    "tpu.region"() ({
      %run_scoped3A = tpu.sem_alloc : memref<!tpu.dma_semaphore, #tpu.memory_space<semaphore_mem>>
      tpu.enqueue_dma source(%arg4 : memref<64xf32, #tpu.memory_space<hbm>>) target(%arg9 : memref<64xf32, #tpu.memory_space<vmem>>) target_semaphore(%run_scoped3A : memref<!tpu.dma_semaphore, #tpu.memory_space<semaphore_mem>>)
      tpu.wait_dma2 semaphore(%run_scoped3A : memref<!tpu.dma_semaphore, #tpu.memory_space<semaphore_mem>>) src(%arg4 : memref<64xf32, #tpu.memory_space<hbm>>) dst(%arg9 : memref<64xf32, #tpu.memory_space<vmem>>)
      tpu.yield
    }) : () -> ()
    %get3A = arith.constant 0 : index
    %get3A_2 = tpu.vector_load %arg9[%get3A] {strides = array<i32>} : memref<64xf32, #tpu.memory_space<vmem>>, vector<16xf32>,
    %get3A_3 = arith.constant 16 : index
    %get3A_4 = tpu.vector_load %arg9[%get3A_3] {strides = array<i32>} : memref<64xf32, #tpu.memory_space<vmem>>, vector<16xf32>,
    %get3A_5 = arith.constant 32 : index
    %get3A_6 = tpu.vector_load %arg9[%get3A_5] {strides = array<i32>} : memref<64xf32, #tpu.memory_space<vmem>>, vector<16xf32>,
    %get3A_7 = arith.constant 48 : index
    %get3A_8 = tpu.vector_load %arg9[%get3A_7] {strides = array<i32>} : memref<64xf32, #tpu.memory_space<vmem>>, vector<16xf32>,
    %mul3A_9 = arith.constant 20480 : i32
    %mul3A_10 = arith.muli %add3A, %mul3A_9 : i32
    "tpu.region"() ({
      %run_scoped3A = tpu.sem_alloc : memref<!tpu.dma_semaphore, #tpu.memory_space<semaphore_mem>>
      %dma_start3A = arith.constant 0 : i32
      %dma_start3A_33 = tpu.memref_slice %arg7[%dma_start3A] : memref<31328xf32, #tpu.memory_space<vmem>> -> memref<20480xf32, #tpu.memory_space<vmem>>
      %dma_start3A_34 = tpu.memref_slice %arg3[%mul3A_10] : memref<655360xf32, #tpu.memory_space<hbm>> -> memref<20480xf32, #tpu.memory_space<hbm>>
      %dma_start3A_35 = arith.constant 0 : i32
      %dma_start3A_36 = tpu.memref_slice %arg7[%dma_start3A_35] : memref<31328xf32, #tpu.memory_space<vmem>> -> memref<20480xf32, #tpu.memory_space<vmem>>
      %dma_start3A_37 = tpu.memref_slice %arg3[%mul3A_10] : memref<655360xf32, #tpu.memory_space<hbm>> -> memref<20480xf32, #tpu.memory_space<hbm>>
      tpu.enqueue_dma source(%dma_start3A_37 : memref<20480xf32, #tpu.memory_space<hbm>>) target(%dma_start3A_36 : memref<20480xf32, #tpu.memory_space<vmem>>) target_semaphore(%run_scoped3A : memref<!tpu.dma_semaphore, #tpu.memory_space<semaphore_mem>>)
      %dma_wait3A = arith.constant 0 : i32
      %dma_wait3A_38 = tpu.memref_slice %arg7[%dma_wait3A] : memref<31328xf32, #tpu.memory_space<vmem>> -> memref<20480xf32, #tpu.memory_space<vmem>>
      %dma_wait3A_39 = tpu.memref_slice %arg3[%mul3A_10] : memref<655360xf32, #tpu.memory_space<hbm>> -> memref<20480xf32, #tpu.memory_space<hbm>>
      %dma_wait3A_40 = arith.constant 0 : i32
      %dma_wait3A_41 = tpu.memref_slice %arg7[%dma_wait3A_40] : memref<31328xf32, #tpu.memory_space<vmem>> -> memref<20480xf32, #tpu.memory_space<vmem>>
      %dma_wait3A_42 = tpu.memref_slice %arg3[%mul3A_10] : memref<655360xf32, #tpu.memory_space<hbm>> -> memref<20480xf32, #tpu.memory_space<hbm>>
      tpu.wait_dma2 semaphore(%run_scoped3A : memref<!tpu.dma_semaphore, #tpu.memory_space<semaphore_mem>>) src(%dma_wait3A_42 : memref<20480xf32, #tpu.memory_space<hbm>>) dst(%dma_wait3A_41 : memref<20480xf32, #tpu.memory_space<vmem>>)
      tpu.yield
    }) : () -> ()
    %iota3A_11 = tpu.iota {dimensions = array<i32: 0>} : vector<16xi32>
    %scan3A = arith.constant 0x7F800000 : f32
    %scan3A_12 = arith.constant 0 : i32
    %scan3A_13 = arith.constant 20 : i32
    %scan3A_14 = arith.addi %scan3A_12, %scan3A_13 : i32
    %scan3A_15 = arith.constant 1 : i32
    %scan3A_16:2 = scf.for %scan3A_33 = %scan3A_12 to %scan3A_14 step %scan3A_15 iter_args(%scan3A_34 = %broadcast_in_dim3A_1, %scan3A_35 = %scan3A) -> (vector<16xf32>, f32)  : i32 {
      %mul3A_36 = arith.constant 1024 : i32
      %mul3A_37 = arith.muli %scan3A_33, %mul3A_36 : i32
      %add3A_38 = arith.constant 0 : i32
      %add3A_39 = arith.addi %mul3A_37, %add3A_38 : i32
      %get3A_40 = arith.index_cast %add3A_39 : i32 to index
      %get3A_41 = tpu.vector_load %arg7[%get3A_40] {strides = array<i32>} : memref<31328xf32, #tpu.memory_space<vmem>>, vector<16xf32>,
      %sub3A_42 = arith.subf %get3A_41, %get3A_2 : vector<16xf32>
      %add3A_43 = arith.constant 16 : i32
      %add3A_44 = arith.addi %add3A_39, %add3A_43 : i32
      %get3A_45 = arith.index_cast %add3A_44 : i32 to index
      %get3A_46 = tpu.vector_load %arg7[%get3A_45] {strides = array<i32>} : memref<31328xf32, #tpu.memory_space<vmem>>, vector<16xf32>,
      %sub3A_47 = arith.subf %get3A_46, %get3A_4 : vector<16xf32>
      %add3A_48 = arith.constant 32 : i32
      %add3A_49 = arith.addi %add3A_39, %add3A_48 : i32
      %get3A_50 = arith.index_cast %add3A_49 : i32 to index
      %get3A_51 = tpu.vector_load %arg7[%get3A_50] {strides = array<i32>} : memref<31328xf32, #tpu.memory_space<vmem>>, vector<16xf32>,
      %sub3A_52 = arith.subf %get3A_51, %get3A_6 : vector<16xf32>
      %add3A_53 = arith.constant 48 : i32
      %add3A_54 = arith.addi %add3A_39, %add3A_53 : i32
      %get3A_55 = arith.index_cast %add3A_54 : i32 to index
      %get3A_56 = tpu.vector_load %arg7[%get3A_55] {strides = array<i32>} : memref<31328xf32, #tpu.memory_space<vmem>>, vector<16xf32>,
      %sub3A_57 = arith.subf %get3A_56, %get3A_8 : vector<16xf32>
      %mul3A_58 = arith.mulf %sub3A_42, %sub3A_42 : vector<16xf32>
      %mul3A_59 = arith.mulf %sub3A_47, %sub3A_47 : vector<16xf32>
      %add3A_60 = arith.addf %mul3A_58, %mul3A_59 : vector<16xf32>
      %mul3A_61 = arith.mulf %sub3A_52, %sub3A_52 : vector<16xf32>
      %add3A_62 = arith.addf %add3A_60, %mul3A_61 : vector<16xf32>
      %mul3A_63 = arith.mulf %sub3A_57, %sub3A_57 : vector<16xf32>
      %add3A_64 = arith.addf %add3A_62, %mul3A_63 : vector<16xf32>
      %swap3A_65 = arith.constant 0 : index
      %swap3A_66 = tpu.vector_load %arg8[%swap3A_65] {strides = array<i32>} : memref<256xf32, #tpu.memory_space<vmem>>, vector<16xf32>,
      tpu.vector_store %arg8[%swap3A_65], %add3A_64 {strides = array<i32>} : memref<256xf32, #tpu.memory_space<vmem>>, vector<16xf32>,
      %add3A_67 = arith.constant 64 : i32
      %add3A_68 = arith.addi %mul3A_37, %add3A_67 : i32
      %get3A_69 = arith.index_cast %add3A_68 : i32 to index
      %get3A_70 = tpu.vector_load %arg7[%get3A_69] {strides = array<i32>} : memref<31328xf32, #tpu.memory_space<vmem>>, vector<16xf32>,
      %sub3A_71 = arith.subf %get3A_70, %get3A_2 : vector<16xf32>
      %add3A_72 = arith.constant 16 : i32
      %add3A_73 = arith.addi %add3A_68, %add3A_72 : i32
      %get3A_74 = arith.index_cast %add3A_73 : i32 to index
      %get3A_75 = tpu.vector_load %arg7[%get3A_74] {strides = array<i32>} : memref<31328xf32, #tpu.memory_space<vmem>>, vector<16xf32>,
      %sub3A_76 = arith.subf %get3A_75, %get3A_4 : vector<16xf32>
      %add3A_77 = arith.constant 32 : i32
      %add3A_78 = arith.addi %add3A_68, %add3A_77 : i32
      %get3A_79 = arith.index_cast %add3A_78 : i32 to index
      %get3A_80 = tpu.vector_load %arg7[%get3A_79] {strides = array<i32>} : memref<31328xf32, #tpu.memory_space<vmem>>, vector<16xf32>,
      %sub3A_81 = arith.subf %get3A_80, %get3A_6 : vector<16xf32>
      %add3A_82 = arith.constant 48 : i32
      %add3A_83 = arith.addi %add3A_68, %add3A_82 : i32
      %get3A_84 = arith.index_cast %add3A_83 : i32 to index
      %get3A_85 = tpu.vector_load %arg7[%get3A_84] {strides = array<i32>} : memref<31328xf32, #tpu.memory_space<vmem>>, vector<16xf32>,
      %sub3A_86 = arith.subf %get3A_85, %get3A_8 : vector<16xf32>
      %mul3A_87 = arith.mulf %sub3A_71, %sub3A_71 : vector<16xf32>
      %mul3A_88 = arith.mulf %sub3A_76, %sub3A_76 : vector<16xf32>
      %add3A_89 = arith.addf %mul3A_87, %mul3A_88 : vector<16xf32>
      %mul3A_90 = arith.mulf %sub3A_81, %sub3A_81 : vector<16xf32>
      %add3A_91 = arith.addf %add3A_89, %mul3A_90 : vector<16xf32>
      %mul3A_92 = arith.mulf %sub3A_86, %sub3A_86 : vector<16xf32>
      %add3A_93 = arith.addf %add3A_91, %mul3A_92 : vector<16xf32>
      %swap3A_94 = arith.constant 16 : index
      %swap3A_95 = tpu.vector_load %arg8[%swap3A_94] {strides = array<i32>} : memref<256xf32, #tpu.memory_space<vmem>>, vector<16xf32>,
      tpu.vector_store %arg8[%swap3A_94], %add3A_93 {strides = array<i32>} : memref<256xf32, #tpu.memory_space<vmem>>, vector<16xf32>,
      %add3A_96 = arith.constant 128 : i32
      %add3A_97 = arith.addi %mul3A_37, %add3A_96 : i32
      %get3A_98 = arith.index_cast %add3A_97 : i32 to index
      %get3A_99 = tpu.vector_load %arg7[%get3A_98] {strides = array<i32>} : memref<31328xf32, #tpu.memory_space<vmem>>, vector<16xf32>,
      %sub3A_100 = arith.subf %get3A_99, %get3A_2 : vector<16xf32>
      %add3A_101 = arith.constant 16 : i32
      %add3A_102 = arith.addi %add3A_97, %add3A_101 : i32
      %get3A_103 = arith.index_cast %add3A_102 : i32 to index
      %get3A_104 = tpu.vector_load %arg7[%get3A_103] {strides = array<i32>} : memref<31328xf32, #tpu.memory_space<vmem>>, vector<16xf32>,
      %sub3A_105 = arith.subf %get3A_104, %get3A_4 : vector<16xf32>
      %add3A_106 = arith.constant 32 : i32
      %add3A_107 = arith.addi %add3A_97, %add3A_106 : i32
      %get3A_108 = arith.index_cast %add3A_107 : i32 to index
      %get3A_109 = tpu.vector_load %arg7[%get3A_108] {strides = array<i32>} : memref<31328xf32, #tpu.memory_space<vmem>>, vector<16xf32>,
      %sub3A_110 = arith.subf %get3A_109, %get3A_6 : vector<16xf32>
      %add3A_111 = arith.constant 48 : i32
      %add3A_112 = arith.addi %add3A_97, %add3A_111 : i32
      %get3A_113 = arith.index_cast %add3A_112 : i32 to index
      %get3A_114 = tpu.vector_load %arg7[%get3A_113] {strides = array<i32>} : memref<31328xf32, #tpu.memory_space<vmem>>, vector<16xf32>,
      %sub3A_115 = arith.subf %get3A_114, %get3A_8 : vector<16xf32>
      %mul3A_116 = arith.mulf %sub3A_100, %sub3A_100 : vector<16xf32>
      %mul3A_117 = arith.mulf %sub3A_105, %sub3A_105 : vector<16xf32>
      %add3A_118 = arith.addf %mul3A_116, %mul3A_117 : vector<16xf32>
      %mul3A_119 = arith.mulf %sub3A_110, %sub3A_110 : vector<16xf32>
      %add3A_120 = arith.addf %add3A_118, %mul3A_119 : vector<16xf32>
      %mul3A_121 = arith.mulf %sub3A_115, %sub3A_115 : vector<16xf32>
      %add3A_122 = arith.addf %add3A_120, %mul3A_121 : vector<16xf32>
      %swap3A_123 = arith.constant 32 : index
      %swap3A_124 = tpu.vector_load %arg8[%swap3A_123] {strides = array<i32>} : memref<256xf32, #tpu.memory_space<vmem>>, vector<16xf32>,
      tpu.vector_store %arg8[%swap3A_123], %add3A_122 {strides = array<i32>} : memref<256xf32, #tpu.memory_space<vmem>>, vector<16xf32>,
      %add3A_125 = arith.constant 192 : i32
      %add3A_126 = arith.addi %mul3A_37, %add3A_125 : i32
      %get3A_127 = arith.index_cast %add3A_126 : i32 to index
      %get3A_128 = tpu.vector_load %arg7[%get3A_127] {strides = array<i32>} : memref<31328xf32, #tpu.memory_space<vmem>>, vector<16xf32>,
      %sub3A_129 = arith.subf %get3A_128, %get3A_2 : vector<16xf32>
      %add3A_130 = arith.constant 16 : i32
      %add3A_131 = arith.addi %add3A_126, %add3A_130 : i32
      %get3A_132 = arith.index_cast %add3A_131 : i32 to index
      %get3A_133 = tpu.vector_load %arg7[%get3A_132] {strides = array<i32>} : memref<31328xf32, #tpu.memory_space<vmem>>, vector<16xf32>,
      %sub3A_134 = arith.subf %get3A_133, %get3A_4 : vector<16xf32>
      %add3A_135 = arith.constant 32 : i32
      %add3A_136 = arith.addi %add3A_126, %add3A_135 : i32
      %get3A_137 = arith.index_cast %add3A_136 : i32 to index
      %get3A_138 = tpu.vector_load %arg7[%get3A_137] {strides = array<i32>} : memref<31328xf32, #tpu.memory_space<vmem>>, vector<16xf32>,
      %sub3A_139 = arith.subf %get3A_138, %get3A_6 : vector<16xf32>
      %add3A_140 = arith.constant 48 : i32
      %add3A_141 = arith.addi %add3A_126, %add3A_140 : i32
      %get3A_142 = arith.index_cast %add3A_141 : i32 to index
      %get3A_143 = tpu.vector_load %arg7[%get3A_142] {strides = array<i32>} : memref<31328xf32, #tpu.memory_space<vmem>>, vector<16xf32>,
      %sub3A_144 = arith.subf %get3A_143, %get3A_8 : vector<16xf32>
      %mul3A_145 = arith.mulf %sub3A_129, %sub3A_129 : vector<16xf32>
      %mul3A_146 = arith.mulf %sub3A_134, %sub3A_134 : vector<16xf32>
      %add3A_147 = arith.addf %mul3A_145, %mul3A_146 : vector<16xf32>
      %mul3A_148 = arith.mulf %sub3A_139, %sub3A_139 : vector<16xf32>
      %add3A_149 = arith.addf %add3A_147, %mul3A_148 : vector<16xf32>
      %mul3A_150 = arith.mulf %sub3A_144, %sub3A_144 : vector<16xf32>
      %add3A_151 = arith.addf %add3A_149, %mul3A_150 : vector<16xf32>
      %swap3A_152 = arith.constant 48 : index
      %swap3A_153 = tpu.vector_load %arg8[%swap3A_152] {strides = array<i32>} : memref<256xf32, #tpu.memory_space<vmem>>, vector<16xf32>,
      tpu.vector_store %arg8[%swap3A_152], %add3A_151 {strides = array<i32>} : memref<256xf32, #tpu.memory_space<vmem>>, vector<16xf32>,
      %add3A_154 = arith.constant 256 : i32
      %add3A_155 = arith.addi %mul3A_37, %add3A_154 : i32
      %get3A_156 = arith.index_cast %add3A_155 : i32 to index
      %get3A_157 = tpu.vector_load %arg7[%get3A_156] {strides = array<i32>} : memref<31328xf32, #tpu.memory_space<vmem>>, vector<16xf32>,
      %sub3A_158 = arith.subf %get3A_157, %get3A_2 : vector<16xf32>
      %add3A_159 = arith.constant 16 : i32
      %add3A_160 = arith.addi %add3A_155, %add3A_159 : i32
      %get3A_161 = arith.index_cast %add3A_160 : i32 to index
      %get3A_162 = tpu.vector_load %arg7[%get3A_161] {strides = array<i32>} : memref<31328xf32, #tpu.memory_space<vmem>>, vector<16xf32>,
      %sub3A_163 = arith.subf %get3A_162, %get3A_4 : vector<16xf32>
      %add3A_164 = arith.constant 32 : i32
      %add3A_165 = arith.addi %add3A_155, %add3A_164 : i32
      %get3A_166 = arith.index_cast %add3A_165 : i32 to index
      %get3A_167 = tpu.vector_load %arg7[%get3A_166] {strides = array<i32>} : memref<31328xf32, #tpu.memory_space<vmem>>, vector<16xf32>,
      %sub3A_168 = arith.subf %get3A_167, %get3A_6 : vector<16xf32>
      %add3A_169 = arith.constant 48 : i32
      %add3A_170 = arith.addi %add3A_155, %add3A_169 : i32
      %get3A_171 = arith.index_cast %add3A_170 : i32 to index
      %get3A_172 = tpu.vector_load %arg7[%get3A_171] {strides = array<i32>} : memref<31328xf32, #tpu.memory_space<vmem>>, vector<16xf32>,
      %sub3A_173 = arith.subf %get3A_172, %get3A_8 : vector<16xf32>
      %mul3A_174 = arith.mulf %sub3A_158, %sub3A_158 : vector<16xf32>
      %mul3A_175 = arith.mulf %sub3A_163, %sub3A_163 : vector<16xf32>
      %add3A_176 = arith.addf %mul3A_174, %mul3A_175 : vector<16xf32>
      %mul3A_177 = arith.mulf %sub3A_168, %sub3A_168 : vector<16xf32>
      %add3A_178 = arith.addf %add3A_176, %mul3A_177 : vector<16xf32>
      %mul3A_179 = arith.mulf %sub3A_173, %sub3A_173 : vector<16xf32>
      %add3A_180 = arith.addf %add3A_178, %mul3A_179 : vector<16xf32>
      %swap3A_181 = arith.constant 64 : index
      %swap3A_182 = tpu.vector_load %arg8[%swap3A_181] {strides = array<i32>} : memref<256xf32, #tpu.memory_space<vmem>>, vector<16xf32>,
      tpu.vector_store %arg8[%swap3A_181], %add3A_180 {strides = array<i32>} : memref<256xf32, #tpu.memory_space<vmem>>, vector<16xf32>,
      %add3A_183 = arith.constant 320 : i32
      %add3A_184 = arith.addi %mul3A_37, %add3A_183 : i32
      %get3A_185 = arith.index_cast %add3A_184 : i32 to index
      %get3A_186 = tpu.vector_load %arg7[%get3A_185] {strides = array<i32>} : memref<31328xf32, #tpu.memory_space<vmem>>, vector<16xf32>,
      %sub3A_187 = arith.subf %get3A_186, %get3A_2 : vector<16xf32>
      %add3A_188 = arith.constant 16 : i32
      %add3A_189 = arith.addi %add3A_184, %add3A_188 : i32
      %get3A_190 = arith.index_cast %add3A_189 : i32 to index
      %get3A_191 = tpu.vector_load %arg7[%get3A_190] {strides = array<i32>} : memref<31328xf32, #tpu.memory_space<vmem>>, vector<16xf32>,
      %sub3A_192 = arith.subf %get3A_191, %get3A_4 : vector<16xf32>
      %add3A_193 = arith.constant 32 : i32
      %add3A_194 = arith.addi %add3A_184, %add3A_193 : i32
      %get3A_195 = arith.index_cast %add3A_194 : i32 to index
      %get3A_196 = tpu.vector_load %arg7[%get3A_195] {strides = array<i32>} : memref<31328xf32, #tpu.memory_space<vmem>>, vector<16xf32>,
      %sub3A_197 = arith.subf %get3A_196, %get3A_6 : vector<16xf32>
      %add3A_198 = arith.constant 48 : i32
      %add3A_199 = arith.addi %add3A_184, %add3A_198 : i32
      %get3A_200 = arith.index_cast %add3A_199 : i32 to index
      %get3A_201 = tpu.vector_load %arg7[%get3A_200] {strides = array<i32>} : memref<31328xf32, #tpu.memory_space<vmem>>, vector<16xf32>,
      %sub3A_202 = arith.subf %get3A_201, %get3A_8 : vector<16xf32>
      %mul3A_203 = arith.mulf %sub3A_187, %sub3A_187 : vector<16xf32>
      %mul3A_204 = arith.mulf %sub3A_192, %sub3A_192 : vector<16xf32>
      %add3A_205 = arith.addf %mul3A_203, %mul3A_204 : vector<16xf32>
      %mul3A_206 = arith.mulf %sub3A_197, %sub3A_197 : vector<16xf32>
      %add3A_207 = arith.addf %add3A_205, %mul3A_206 : vector<16xf32>
      %mul3A_208 = arith.mulf %sub3A_202, %sub3A_202 : vector<16xf32>
      %add3A_209 = arith.addf %add3A_207, %mul3A_208 : vector<16xf32>
      %swap3A_210 = arith.constant 80 : index
      %swap3A_211 = tpu.vector_load %arg8[%swap3A_210] {strides = array<i32>} : memref<256xf32, #tpu.memory_space<vmem>>, vector<16xf32>,
      tpu.vector_store %arg8[%swap3A_210], %add3A_209 {strides = array<i32>} : memref<256xf32, #tpu.memory_space<vmem>>, vector<16xf32>,
      %add3A_212 = arith.constant 384 : i32
      %add3A_213 = arith.addi %mul3A_37, %add3A_212 : i32
      %get3A_214 = arith.index_cast %add3A_213 : i32 to index
      %get3A_215 = tpu.vector_load %arg7[%get3A_214] {strides = array<i32>} : memref<31328xf32, #tpu.memory_space<vmem>>, vector<16xf32>,
      %sub3A_216 = arith.subf %get3A_215, %get3A_2 : vector<16xf32>
      %add3A_217 = arith.constant 16 : i32
      %add3A_218 = arith.addi %add3A_213, %add3A_217 : i32
      %get3A_219 = arith.index_cast %add3A_218 : i32 to index
      %get3A_220 = tpu.vector_load %arg7[%get3A_219] {strides = array<i32>} : memref<31328xf32, #tpu.memory_space<vmem>>, vector<16xf32>,
      %sub3A_221 = arith.subf %get3A_220, %get3A_4 : vector<16xf32>
      %add3A_222 = arith.constant 32 : i32
      %add3A_223 = arith.addi %add3A_213, %add3A_222 : i32
      %get3A_224 = arith.index_cast %add3A_223 : i32 to index
      %get3A_225 = tpu.vector_load %arg7[%get3A_224] {strides = array<i32>} : memref<31328xf32, #tpu.memory_space<vmem>>, vector<16xf32>,
      %sub3A_226 = arith.subf %get3A_225, %get3A_6 : vector<16xf32>
      %add3A_227 = arith.constant 48 : i32
      %add3A_228 = arith.addi %add3A_213, %add3A_227 : i32
      %get3A_229 = arith.index_cast %add3A_228 : i32 to index
      %get3A_230 = tpu.vector_load %arg7[%get3A_229] {strides = array<i32>} : memref<31328xf32, #tpu.memory_space<vmem>>, vector<16xf32>,
      %sub3A_231 = arith.subf %get3A_230, %get3A_8 : vector<16xf32>
      %mul3A_232 = arith.mulf %sub3A_216, %sub3A_216 : vector<16xf32>
      %mul3A_233 = arith.mulf %sub3A_221, %sub3A_221 : vector<16xf32>
      %add3A_234 = arith.addf %mul3A_232, %mul3A_233 : vector<16xf32>
      %mul3A_235 = arith.mulf %sub3A_226, %sub3A_226 : vector<16xf32>
      %add3A_236 = arith.addf %add3A_234, %mul3A_235 : vector<16xf32>
      %mul3A_237 = arith.mulf %sub3A_231, %sub3A_231 : vector<16xf32>
      %add3A_238 = arith.addf %add3A_236, %mul3A_237 : vector<16xf32>
      %swap3A_239 = arith.constant 96 : index
      %swap3A_240 = tpu.vector_load %arg8[%swap3A_239] {strides = array<i32>} : memref<256xf32, #tpu.memory_space<vmem>>, vector<16xf32>,
      tpu.vector_store %arg8[%swap3A_239], %add3A_238 {strides = array<i32>} : memref<256xf32, #tpu.memory_space<vmem>>, vector<16xf32>,
      %add3A_241 = arith.constant 448 : i32
      %add3A_242 = arith.addi %mul3A_37, %add3A_241 : i32
      %get3A_243 = arith.index_cast %add3A_242 : i32 to index
      %get3A_244 = tpu.vector_load %arg7[%get3A_243] {strides = array<i32>} : memref<31328xf32, #tpu.memory_space<vmem>>, vector<16xf32>,
      %sub3A_245 = arith.subf %get3A_244, %get3A_2 : vector<16xf32>
      %add3A_246 = arith.constant 16 : i32
      %add3A_247 = arith.addi %add3A_242, %add3A_246 : i32
      %get3A_248 = arith.index_cast %add3A_247 : i32 to index
      %get3A_249 = tpu.vector_load %arg7[%get3A_248] {strides = array<i32>} : memref<31328xf32, #tpu.memory_space<vmem>>, vector<16xf32>,
      %sub3A_250 = arith.subf %get3A_249, %get3A_4 : vector<16xf32>
      %add3A_251 = arith.constant 32 : i32
      %add3A_252 = arith.addi %add3A_242, %add3A_251 : i32
      %get3A_253 = arith.index_cast %add3A_252 : i32 to index
      %get3A_254 = tpu.vector_load %arg7[%get3A_253] {strides = array<i32>} : memref<31328xf32, #tpu.memory_space<vmem>>, vector<16xf32>,
      %sub3A_255 = arith.subf %get3A_254, %get3A_6 : vector<16xf32>
      %add3A_256 = arith.constant 48 : i32
      %add3A_257 = arith.addi %add3A_242, %add3A_256 : i32
      %get3A_258 = arith.index_cast %add3A_257 : i32 to index
      %get3A_259 = tpu.vector_load %arg7[%get3A_258] {strides = array<i32>} : memref<31328xf32, #tpu.memory_space<vmem>>, vector<16xf32>,
      %sub3A_260 = arith.subf %get3A_259, %get3A_8 : vector<16xf32>
      %mul3A_261 = arith.mulf %sub3A_245, %sub3A_245 : vector<16xf32>
      %mul3A_262 = arith.mulf %sub3A_250, %sub3A_250 : vector<16xf32>
      %add3A_263 = arith.addf %mul3A_261, %mul3A_262 : vector<16xf32>
      %mul3A_264 = arith.mulf %sub3A_255, %sub3A_255 : vector<16xf32>
      %add3A_265 = arith.addf %add3A_263, %mul3A_264 : vector<16xf32>
      %mul3A_266 = arith.mulf %sub3A_260, %sub3A_260 : vector<16xf32>
      %add3A_267 = arith.addf %add3A_265, %mul3A_266 : vector<16xf32>
      %swap3A_268 = arith.constant 112 : index
      %swap3A_269 = tpu.vector_load %arg8[%swap3A_268] {strides = array<i32>} : memref<256xf32, #tpu.memory_space<vmem>>, vector<16xf32>,
      tpu.vector_store %arg8[%swap3A_268], %add3A_267 {strides = array<i32>} : memref<256xf32, #tpu.memory_space<vmem>>, vector<16xf32>,
      %add3A_270 = arith.constant 512 : i32
      %add3A_271 = arith.addi %mul3A_37, %add3A_270 : i32
      %get3A_272 = arith.index_cast %add3A_271 : i32 to index
      %get3A_273 = tpu.vector_load %arg7[%get3A_272] {strides = array<i32>} : memref<31328xf32, #tpu.memory_space<vmem>>, vector<16xf32>,
      %sub3A_274 = arith.subf %get3A_273, %get3A_2 : vector<16xf32>
      %add3A_275 = arith.constant 16 : i32
      %add3A_276 = arith.addi %add3A_271, %add3A_275 : i32
      %get3A_277 = arith.index_cast %add3A_276 : i32 to index
      %get3A_278 = tpu.vector_load %arg7[%get3A_277] {strides = array<i32>} : memref<31328xf32, #tpu.memory_space<vmem>>, vector<16xf32>,
      %sub3A_279 = arith.subf %get3A_278, %get3A_4 : vector<16xf32>
      %add3A_280 = arith.constant 32 : i32
      %add3A_281 = arith.addi %add3A_271, %add3A_280 : i32
      %get3A_282 = arith.index_cast %add3A_281 : i32 to index
      %get3A_283 = tpu.vector_load %arg7[%get3A_282] {strides = array<i32>} : memref<31328xf32, #tpu.memory_space<vmem>>, vector<16xf32>,
      %sub3A_284 = arith.subf %get3A_283, %get3A_6 : vector<16xf32>
      %add3A_285 = arith.constant 48 : i32
      %add3A_286 = arith.addi %add3A_271, %add3A_285 : i32
      %get3A_287 = arith.index_cast %add3A_286 : i32 to index
      %get3A_288 = tpu.vector_load %arg7[%get3A_287] {strides = array<i32>} : memref<31328xf32, #tpu.memory_space<vmem>>, vector<16xf32>,
      %sub3A_289 = arith.subf %get3A_288, %get3A_8 : vector<16xf32>
      %mul3A_290 = arith.mulf %sub3A_274, %sub3A_274 : vector<16xf32>
      %mul3A_291 = arith.mulf %sub3A_279, %sub3A_279 : vector<16xf32>
      %add3A_292 = arith.addf %mul3A_290, %mul3A_291 : vector<16xf32>
      %mul3A_293 = arith.mulf %sub3A_284, %sub3A_284 : vector<16xf32>
      %add3A_294 = arith.addf %add3A_292, %mul3A_293 : vector<16xf32>
      %mul3A_295 = arith.mulf %sub3A_289, %sub3A_289 : vector<16xf32>
      %add3A_296 = arith.addf %add3A_294, %mul3A_295 : vector<16xf32>
      %swap3A_297 = arith.constant 128 : index
      %swap3A_298 = tpu.vector_load %arg8[%swap3A_297] {strides = array<i32>} : memref<256xf32, #tpu.memory_space<vmem>>, vector<16xf32>,
      tpu.vector_store %arg8[%swap3A_297], %add3A_296 {strides = array<i32>} : memref<256xf32, #tpu.memory_space<vmem>>, vector<16xf32>,
      %add3A_299 = arith.constant 576 : i32
      %add3A_300 = arith.addi %mul3A_37, %add3A_299 : i32
      %get3A_301 = arith.index_cast %add3A_300 : i32 to index
      %get3A_302 = tpu.vector_load %arg7[%get3A_301] {strides = array<i32>} : memref<31328xf32, #tpu.memory_space<vmem>>, vector<16xf32>,
      %sub3A_303 = arith.subf %get3A_302, %get3A_2 : vector<16xf32>
      %add3A_304 = arith.constant 16 : i32
      %add3A_305 = arith.addi %add3A_300, %add3A_304 : i32
      %get3A_306 = arith.index_cast %add3A_305 : i32 to index
      %get3A_307 = tpu.vector_load %arg7[%get3A_306] {strides = array<i32>} : memref<31328xf32, #tpu.memory_space<vmem>>, vector<16xf32>,
      %sub3A_308 = arith.subf %get3A_307, %get3A_4 : vector<16xf32>
      %add3A_309 = arith.constant 32 : i32
      %add3A_310 = arith.addi %add3A_300, %add3A_309 : i32
      %get3A_311 = arith.index_cast %add3A_310 : i32 to index
      %get3A_312 = tpu.vector_load %arg7[%get3A_311] {strides = array<i32>} : memref<31328xf32, #tpu.memory_space<vmem>>, vector<16xf32>,
      %sub3A_313 = arith.subf %get3A_312, %get3A_6 : vector<16xf32>
      %add3A_314 = arith.constant 48 : i32
      %add3A_315 = arith.addi %add3A_300, %add3A_314 : i32
      %get3A_316 = arith.index_cast %add3A_315 : i32 to index
      %get3A_317 = tpu.vector_load %arg7[%get3A_316] {strides = array<i32>} : memref<31328xf32, #tpu.memory_space<vmem>>, vector<16xf32>,
      %sub3A_318 = arith.subf %get3A_317, %get3A_8 : vector<16xf32>
      %mul3A_319 = arith.mulf %sub3A_303, %sub3A_303 : vector<16xf32>
      %mul3A_320 = arith.mulf %sub3A_308, %sub3A_308 : vector<16xf32>
      %add3A_321 = arith.addf %mul3A_319, %mul3A_320 : vector<16xf32>
      %mul3A_322 = arith.mulf %sub3A_313, %sub3A_313 : vector<16xf32>
      %add3A_323 = arith.addf %add3A_321, %mul3A_322 : vector<16xf32>
      %mul3A_324 = arith.mulf %sub3A_318, %sub3A_318 : vector<16xf32>
      %add3A_325 = arith.addf %add3A_323, %mul3A_324 : vector<16xf32>
      %swap3A_326 = arith.constant 144 : index
      %swap3A_327 = tpu.vector_load %arg8[%swap3A_326] {strides = array<i32>} : memref<256xf32, #tpu.memory_space<vmem>>, vector<16xf32>,
      tpu.vector_store %arg8[%swap3A_326], %add3A_325 {strides = array<i32>} : memref<256xf32, #tpu.memory_space<vmem>>, vector<16xf32>,
      %add3A_328 = arith.constant 640 : i32
      %add3A_329 = arith.addi %mul3A_37, %add3A_328 : i32
      %get3A_330 = arith.index_cast %add3A_329 : i32 to index
      %get3A_331 = tpu.vector_load %arg7[%get3A_330] {strides = array<i32>} : memref<31328xf32, #tpu.memory_space<vmem>>, vector<16xf32>,
      %sub3A_332 = arith.subf %get3A_331, %get3A_2 : vector<16xf32>
      %add3A_333 = arith.constant 16 : i32
      %add3A_334 = arith.addi %add3A_329, %add3A_333 : i32
      %get3A_335 = arith.index_cast %add3A_334 : i32 to index
      %get3A_336 = tpu.vector_load %arg7[%get3A_335] {strides = array<i32>} : memref<31328xf32, #tpu.memory_space<vmem>>, vector<16xf32>,
      %sub3A_337 = arith.subf %get3A_336, %get3A_4 : vector<16xf32>
      %add3A_338 = arith.constant 32 : i32
      %add3A_339 = arith.addi %add3A_329, %add3A_338 : i32
      %get3A_340 = arith.index_cast %add3A_339 : i32 to index
      %get3A_341 = tpu.vector_load %arg7[%get3A_340] {strides = array<i32>} : memref<31328xf32, #tpu.memory_space<vmem>>, vector<16xf32>,
      %sub3A_342 = arith.subf %get3A_341, %get3A_6 : vector<16xf32>
      %add3A_343 = arith.constant 48 : i32
      %add3A_344 = arith.addi %add3A_329, %add3A_343 : i32
      %get3A_345 = arith.index_cast %add3A_344 : i32 to index
      %get3A_346 = tpu.vector_load %arg7[%get3A_345] {strides = array<i32>} : memref<31328xf32, #tpu.memory_space<vmem>>, vector<16xf32>,
      %sub3A_347 = arith.subf %get3A_346, %get3A_8 : vector<16xf32>
      %mul3A_348 = arith.mulf %sub3A_332, %sub3A_332 : vector<16xf32>
      %mul3A_349 = arith.mulf %sub3A_337, %sub3A_337 : vector<16xf32>
      %add3A_350 = arith.addf %mul3A_348, %mul3A_349 : vector<16xf32>
      %mul3A_351 = arith.mulf %sub3A_342, %sub3A_342 : vector<16xf32>
      %add3A_352 = arith.addf %add3A_350, %mul3A_351 : vector<16xf32>
      %mul3A_353 = arith.mulf %sub3A_347, %sub3A_347 : vector<16xf32>
      %add3A_354 = arith.addf %add3A_352, %mul3A_353 : vector<16xf32>
      %swap3A_355 = arith.constant 160 : index
      %swap3A_356 = tpu.vector_load %arg8[%swap3A_355] {strides = array<i32>} : memref<256xf32, #tpu.memory_space<vmem>>, vector<16xf32>,
      tpu.vector_store %arg8[%swap3A_355], %add3A_354 {strides = array<i32>} : memref<256xf32, #tpu.memory_space<vmem>>, vector<16xf32>,
      %add3A_357 = arith.constant 704 : i32
      %add3A_358 = arith.addi %mul3A_37, %add3A_357 : i32
      %get3A_359 = arith.index_cast %add3A_358 : i32 to index
      %get3A_360 = tpu.vector_load %arg7[%get3A_359] {strides = array<i32>} : memref<31328xf32, #tpu.memory_space<vmem>>, vector<16xf32>,
      %sub3A_361 = arith.subf %get3A_360, %get3A_2 : vector<16xf32>
      %add3A_362 = arith.constant 16 : i32
      %add3A_363 = arith.addi %add3A_358, %add3A_362 : i32
      %get3A_364 = arith.index_cast %add3A_363 : i32 to index
      %get3A_365 = tpu.vector_load %arg7[%get3A_364] {strides = array<i32>} : memref<31328xf32, #tpu.memory_space<vmem>>, vector<16xf32>,
      %sub3A_366 = arith.subf %get3A_365, %get3A_4 : vector<16xf32>
      %add3A_367 = arith.constant 32 : i32
      %add3A_368 = arith.addi %add3A_358, %add3A_367 : i32
      %get3A_369 = arith.index_cast %add3A_368 : i32 to index
      %get3A_370 = tpu.vector_load %arg7[%get3A_369] {strides = array<i32>} : memref<31328xf32, #tpu.memory_space<vmem>>, vector<16xf32>,
      %sub3A_371 = arith.subf %get3A_370, %get3A_6 : vector<16xf32>
      %add3A_372 = arith.constant 48 : i32
      %add3A_373 = arith.addi %add3A_358, %add3A_372 : i32
      %get3A_374 = arith.index_cast %add3A_373 : i32 to index
      %get3A_375 = tpu.vector_load %arg7[%get3A_374] {strides = array<i32>} : memref<31328xf32, #tpu.memory_space<vmem>>, vector<16xf32>,
      %sub3A_376 = arith.subf %get3A_375, %get3A_8 : vector<16xf32>
      %mul3A_377 = arith.mulf %sub3A_361, %sub3A_361 : vector<16xf32>
      %mul3A_378 = arith.mulf %sub3A_366, %sub3A_366 : vector<16xf32>
      %add3A_379 = arith.addf %mul3A_377, %mul3A_378 : vector<16xf32>
      %mul3A_380 = arith.mulf %sub3A_371, %sub3A_371 : vector<16xf32>
      %add3A_381 = arith.addf %add3A_379, %mul3A_380 : vector<16xf32>
      %mul3A_382 = arith.mulf %sub3A_376, %sub3A_376 : vector<16xf32>
      %add3A_383 = arith.addf %add3A_381, %mul3A_382 : vector<16xf32>
      %swap3A_384 = arith.constant 176 : index
      %swap3A_385 = tpu.vector_load %arg8[%swap3A_384] {strides = array<i32>} : memref<256xf32, #tpu.memory_space<vmem>>, vector<16xf32>,
      tpu.vector_store %arg8[%swap3A_384], %add3A_383 {strides = array<i32>} : memref<256xf32, #tpu.memory_space<vmem>>, vector<16xf32>,
      %add3A_386 = arith.constant 768 : i32
      %add3A_387 = arith.addi %mul3A_37, %add3A_386 : i32
      %get3A_388 = arith.index_cast %add3A_387 : i32 to index
      %get3A_389 = tpu.vector_load %arg7[%get3A_388] {strides = array<i32>} : memref<31328xf32, #tpu.memory_space<vmem>>, vector<16xf32>,
      %sub3A_390 = arith.subf %get3A_389, %get3A_2 : vector<16xf32>
      %add3A_391 = arith.constant 16 : i32
      %add3A_392 = arith.addi %add3A_387, %add3A_391 : i32
      %get3A_393 = arith.index_cast %add3A_392 : i32 to index
      %get3A_394 = tpu.vector_load %arg7[%get3A_393] {strides = array<i32>} : memref<31328xf32, #tpu.memory_space<vmem>>, vector<16xf32>,
      %sub3A_395 = arith.subf %get3A_394, %get3A_4 : vector<16xf32>
      %add3A_396 = arith.constant 32 : i32
      %add3A_397 = arith.addi %add3A_387, %add3A_396 : i32
      %get3A_398 = arith.index_cast %add3A_397 : i32 to index
      %get3A_399 = tpu.vector_load %arg7[%get3A_398] {strides = array<i32>} : memref<31328xf32, #tpu.memory_space<vmem>>, vector<16xf32>,
      %sub3A_400 = arith.subf %get3A_399, %get3A_6 : vector<16xf32>
      %add3A_401 = arith.constant 48 : i32
      %add3A_402 = arith.addi %add3A_387, %add3A_401 : i32
      %get3A_403 = arith.index_cast %add3A_402 : i32 to index
      %get3A_404 = tpu.vector_load %arg7[%get3A_403] {strides = array<i32>} : memref<31328xf32, #tpu.memory_space<vmem>>, vector<16xf32>,
      %sub3A_405 = arith.subf %get3A_404, %get3A_8 : vector<16xf32>
      %mul3A_406 = arith.mulf %sub3A_390, %sub3A_390 : vector<16xf32>
      %mul3A_407 = arith.mulf %sub3A_395, %sub3A_395 : vector<16xf32>
      %add3A_408 = arith.addf %mul3A_406, %mul3A_407 : vector<16xf32>
      %mul3A_409 = arith.mulf %sub3A_400, %sub3A_400 : vector<16xf32>
      %add3A_410 = arith.addf %add3A_408, %mul3A_409 : vector<16xf32>
      %mul3A_411 = arith.mulf %sub3A_405, %sub3A_405 : vector<16xf32>
      %add3A_412 = arith.addf %add3A_410, %mul3A_411 : vector<16xf32>
      %swap3A_413 = arith.constant 192 : index
      %swap3A_414 = tpu.vector_load %arg8[%swap3A_413] {strides = array<i32>} : memref<256xf32, #tpu.memory_space<vmem>>, vector<16xf32>,
      tpu.vector_store %arg8[%swap3A_413], %add3A_412 {strides = array<i32>} : memref<256xf32, #tpu.memory_space<vmem>>, vector<16xf32>,
      %add3A_415 = arith.constant 832 : i32
      %add3A_416 = arith.addi %mul3A_37, %add3A_415 : i32
      %get3A_417 = arith.index_cast %add3A_416 : i32 to index
      %get3A_418 = tpu.vector_load %arg7[%get3A_417] {strides = array<i32>} : memref<31328xf32, #tpu.memory_space<vmem>>, vector<16xf32>,
      %sub3A_419 = arith.subf %get3A_418, %get3A_2 : vector<16xf32>
      %add3A_420 = arith.constant 16 : i32
      %add3A_421 = arith.addi %add3A_416, %add3A_420 : i32
      %get3A_422 = arith.index_cast %add3A_421 : i32 to index
      %get3A_423 = tpu.vector_load %arg7[%get3A_422] {strides = array<i32>} : memref<31328xf32, #tpu.memory_space<vmem>>, vector<16xf32>,
      %sub3A_424 = arith.subf %get3A_423, %get3A_4 : vector<16xf32>
      %add3A_425 = arith.constant 32 : i32
      %add3A_426 = arith.addi %add3A_416, %add3A_425 : i32
      %get3A_427 = arith.index_cast %add3A_426 : i32 to index
      %get3A_428 = tpu.vector_load %arg7[%get3A_427] {strides = array<i32>} : memref<31328xf32, #tpu.memory_space<vmem>>, vector<16xf32>,
      %sub3A_429 = arith.subf %get3A_428, %get3A_6 : vector<16xf32>
      %add3A_430 = arith.constant 48 : i32
      %add3A_431 = arith.addi %add3A_416, %add3A_430 : i32
      %get3A_432 = arith.index_cast %add3A_431 : i32 to index
      %get3A_433 = tpu.vector_load %arg7[%get3A_432] {strides = array<i32>} : memref<31328xf32, #tpu.memory_space<vmem>>, vector<16xf32>,
      %sub3A_434 = arith.subf %get3A_433, %get3A_8 : vector<16xf32>
      %mul3A_435 = arith.mulf %sub3A_419, %sub3A_419 : vector<16xf32>
      %mul3A_436 = arith.mulf %sub3A_424, %sub3A_424 : vector<16xf32>
      %add3A_437 = arith.addf %mul3A_435, %mul3A_436 : vector<16xf32>
      %mul3A_438 = arith.mulf %sub3A_429, %sub3A_429 : vector<16xf32>
      %add3A_439 = arith.addf %add3A_437, %mul3A_438 : vector<16xf32>
      %mul3A_440 = arith.mulf %sub3A_434, %sub3A_434 : vector<16xf32>
      %add3A_441 = arith.addf %add3A_439, %mul3A_440 : vector<16xf32>
      %swap3A_442 = arith.constant 208 : index
      %swap3A_443 = tpu.vector_load %arg8[%swap3A_442] {strides = array<i32>} : memref<256xf32, #tpu.memory_space<vmem>>, vector<16xf32>,
      tpu.vector_store %arg8[%swap3A_442], %add3A_441 {strides = array<i32>} : memref<256xf32, #tpu.memory_space<vmem>>, vector<16xf32>,
      %add3A_444 = arith.constant 896 : i32
      %add3A_445 = arith.addi %mul3A_37, %add3A_444 : i32
      %get3A_446 = arith.index_cast %add3A_445 : i32 to index
      %get3A_447 = tpu.vector_load %arg7[%get3A_446] {strides = array<i32>} : memref<31328xf32, #tpu.memory_space<vmem>>, vector<16xf32>,
      %sub3A_448 = arith.subf %get3A_447, %get3A_2 : vector<16xf32>
      %add3A_449 = arith.constant 16 : i32
      %add3A_450 = arith.addi %add3A_445, %add3A_449 : i32
      %get3A_451 = arith.index_cast %add3A_450 : i32 to index
      %get3A_452 = tpu.vector_load %arg7[%get3A_451] {strides = array<i32>} : memref<31328xf32, #tpu.memory_space<vmem>>, vector<16xf32>,
      %sub3A_453 = arith.subf %get3A_452, %get3A_4 : vector<16xf32>
      %add3A_454 = arith.constant 32 : i32
      %add3A_455 = arith.addi %add3A_445, %add3A_454 : i32
      %get3A_456 = arith.index_cast %add3A_455 : i32 to index
      %get3A_457 = tpu.vector_load %arg7[%get3A_456] {strides = array<i32>} : memref<31328xf32, #tpu.memory_space<vmem>>, vector<16xf32>,
      %sub3A_458 = arith.subf %get3A_457, %get3A_6 : vector<16xf32>
      %add3A_459 = arith.constant 48 : i32
      %add3A_460 = arith.addi %add3A_445, %add3A_459 : i32
      %get3A_461 = arith.index_cast %add3A_460 : i32 to index
      %get3A_462 = tpu.vector_load %arg7[%get3A_461] {strides = array<i32>} : memref<31328xf32, #tpu.memory_space<vmem>>, vector<16xf32>,
      %sub3A_463 = arith.subf %get3A_462, %get3A_8 : vector<16xf32>
      %mul3A_464 = arith.mulf %sub3A_448, %sub3A_448 : vector<16xf32>
      %mul3A_465 = arith.mulf %sub3A_453, %sub3A_453 : vector<16xf32>
      %add3A_466 = arith.addf %mul3A_464, %mul3A_465 : vector<16xf32>
      %mul3A_467 = arith.mulf %sub3A_458, %sub3A_458 : vector<16xf32>
      %add3A_468 = arith.addf %add3A_466, %mul3A_467 : vector<16xf32>
      %mul3A_469 = arith.mulf %sub3A_463, %sub3A_463 : vector<16xf32>
      %add3A_470 = arith.addf %add3A_468, %mul3A_469 : vector<16xf32>
      %swap3A_471 = arith.constant 224 : index
      %swap3A_472 = tpu.vector_load %arg8[%swap3A_471] {strides = array<i32>} : memref<256xf32, #tpu.memory_space<vmem>>, vector<16xf32>,
      tpu.vector_store %arg8[%swap3A_471], %add3A_470 {strides = array<i32>} : memref<256xf32, #tpu.memory_space<vmem>>, vector<16xf32>,
      %add3A_473 = arith.constant 960 : i32
      %add3A_474 = arith.addi %mul3A_37, %add3A_473 : i32
      %get3A_475 = arith.index_cast %add3A_474 : i32 to index
      %get3A_476 = tpu.vector_load %arg7[%get3A_475] {strides = array<i32>} : memref<31328xf32, #tpu.memory_space<vmem>>, vector<16xf32>,
      %sub3A_477 = arith.subf %get3A_476, %get3A_2 : vector<16xf32>
      %add3A_478 = arith.constant 16 : i32
      %add3A_479 = arith.addi %add3A_474, %add3A_478 : i32
      %get3A_480 = arith.index_cast %add3A_479 : i32 to index
      %get3A_481 = tpu.vector_load %arg7[%get3A_480] {strides = array<i32>} : memref<31328xf32, #tpu.memory_space<vmem>>, vector<16xf32>,
      %sub3A_482 = arith.subf %get3A_481, %get3A_4 : vector<16xf32>
      %add3A_483 = arith.constant 32 : i32
      %add3A_484 = arith.addi %add3A_474, %add3A_483 : i32
      %get3A_485 = arith.index_cast %add3A_484 : i32 to index
      %get3A_486 = tpu.vector_load %arg7[%get3A_485] {strides = array<i32>} : memref<31328xf32, #tpu.memory_space<vmem>>, vector<16xf32>,
      %sub3A_487 = arith.subf %get3A_486, %get3A_6 : vector<16xf32>
      %add3A_488 = arith.constant 48 : i32
      %add3A_489 = arith.addi %add3A_474, %add3A_488 : i32
      %get3A_490 = arith.index_cast %add3A_489 : i32 to index
      %get3A_491 = tpu.vector_load %arg7[%get3A_490] {strides = array<i32>} : memref<31328xf32, #tpu.memory_space<vmem>>, vector<16xf32>,
      %sub3A_492 = arith.subf %get3A_491, %get3A_8 : vector<16xf32>
      %mul3A_493 = arith.mulf %sub3A_477, %sub3A_477 : vector<16xf32>
      %mul3A_494 = arith.mulf %sub3A_482, %sub3A_482 : vector<16xf32>
      %add3A_495 = arith.addf %mul3A_493, %mul3A_494 : vector<16xf32>
      %mul3A_496 = arith.mulf %sub3A_487, %sub3A_487 : vector<16xf32>
      %add3A_497 = arith.addf %add3A_495, %mul3A_496 : vector<16xf32>
      %mul3A_498 = arith.mulf %sub3A_492, %sub3A_492 : vector<16xf32>
      %add3A_499 = arith.addf %add3A_497, %mul3A_498 : vector<16xf32>
      %swap3A_500 = arith.constant 240 : index
      %swap3A_501 = tpu.vector_load %arg8[%swap3A_500] {strides = array<i32>} : memref<256xf32, #tpu.memory_space<vmem>>, vector<16xf32>,
      tpu.vector_store %arg8[%swap3A_500], %add3A_499 {strides = array<i32>} : memref<256xf32, #tpu.memory_space<vmem>>, vector<16xf32>,
      %mul3A_502 = arith.constant 16 : i32
      %mul3A_503 = vector.broadcast %mul3A_502 : i32 to vector<16xi32>
      %mul3A_504 = arith.muli %iota3A_11, %mul3A_503 : vector<16xi32>
      %add3A_505 = arith.constant 0 : i32
      %add3A_506 = vector.broadcast %add3A_505 : i32 to vector<16xi32>
      %add3A_507 = arith.addi %mul3A_504, %add3A_506 : vector<16xi32>
      %gather3A = tpu.vector_load_idx %arg8[%add3A_507] : memref<256xf32, #tpu.memory_space<vmem>>[vector<16xi32>], vector<16xf32>,
      %mul3A_508 = arith.constant 16 : i32
      %mul3A_509 = vector.broadcast %mul3A_508 : i32 to vector<16xi32>
      %mul3A_510 = arith.muli %iota3A_11, %mul3A_509 : vector<16xi32>
      %add3A_511 = arith.constant 1 : i32
      %add3A_512 = vector.broadcast %add3A_511 : i32 to vector<16xi32>
      %add3A_513 = arith.addi %mul3A_510, %add3A_512 : vector<16xi32>
      %gather3A_514 = tpu.vector_load_idx %arg8[%add3A_513] : memref<256xf32, #tpu.memory_space<vmem>>[vector<16xi32>], vector<16xf32>,
      %mul3A_515 = arith.constant 16 : i32
      %mul3A_516 = vector.broadcast %mul3A_515 : i32 to vector<16xi32>
      %mul3A_517 = arith.muli %iota3A_11, %mul3A_516 : vector<16xi32>
      %add3A_518 = arith.constant 2 : i32
      %add3A_519 = vector.broadcast %add3A_518 : i32 to vector<16xi32>
      %add3A_520 = arith.addi %mul3A_517, %add3A_519 : vector<16xi32>
      %gather3A_521 = tpu.vector_load_idx %arg8[%add3A_520] : memref<256xf32, #tpu.memory_space<vmem>>[vector<16xi32>], vector<16xf32>,
      %mul3A_522 = arith.constant 16 : i32
      %mul3A_523 = vector.broadcast %mul3A_522 : i32 to vector<16xi32>
      %mul3A_524 = arith.muli %iota3A_11, %mul3A_523 : vector<16xi32>
      %add3A_525 = arith.constant 3 : i32
      %add3A_526 = vector.broadcast %add3A_525 : i32 to vector<16xi32>
      %add3A_527 = arith.addi %mul3A_524, %add3A_526 : vector<16xi32>
      %gather3A_528 = tpu.vector_load_idx %arg8[%add3A_527] : memref<256xf32, #tpu.memory_space<vmem>>[vector<16xi32>], vector<16xf32>,
      %mul3A_529 = arith.constant 16 : i32
      %mul3A_530 = vector.broadcast %mul3A_529 : i32 to vector<16xi32>
      %mul3A_531 = arith.muli %iota3A_11, %mul3A_530 : vector<16xi32>
      %add3A_532 = arith.constant 4 : i32
      %add3A_533 = vector.broadcast %add3A_532 : i32 to vector<16xi32>
      %add3A_534 = arith.addi %mul3A_531, %add3A_533 : vector<16xi32>
      %gather3A_535 = tpu.vector_load_idx %arg8[%add3A_534] : memref<256xf32, #tpu.memory_space<vmem>>[vector<16xi32>], vector<16xf32>,
      %mul3A_536 = arith.constant 16 : i32
      %mul3A_537 = vector.broadcast %mul3A_536 : i32 to vector<16xi32>
      %mul3A_538 = arith.muli %iota3A_11, %mul3A_537 : vector<16xi32>
      %add3A_539 = arith.constant 5 : i32
      %add3A_540 = vector.broadcast %add3A_539 : i32 to vector<16xi32>
      %add3A_541 = arith.addi %mul3A_538, %add3A_540 : vector<16xi32>
      %gather3A_542 = tpu.vector_load_idx %arg8[%add3A_541] : memref<256xf32, #tpu.memory_space<vmem>>[vector<16xi32>], vector<16xf32>,
      %mul3A_543 = arith.constant 16 : i32
      %mul3A_544 = vector.broadcast %mul3A_543 : i32 to vector<16xi32>
      %mul3A_545 = arith.muli %iota3A_11, %mul3A_544 : vector<16xi32>
      %add3A_546 = arith.constant 6 : i32
      %add3A_547 = vector.broadcast %add3A_546 : i32 to vector<16xi32>
      %add3A_548 = arith.addi %mul3A_545, %add3A_547 : vector<16xi32>
      %gather3A_549 = tpu.vector_load_idx %arg8[%add3A_548] : memref<256xf32, #tpu.memory_space<vmem>>[vector<16xi32>], vector<16xf32>,
      %mul3A_550 = arith.constant 16 : i32
      %mul3A_551 = vector.broadcast %mul3A_550 : i32 to vector<16xi32>
      %mul3A_552 = arith.muli %iota3A_11, %mul3A_551 : vector<16xi32>
      %add3A_553 = arith.constant 7 : i32
      %add3A_554 = vector.broadcast %add3A_553 : i32 to vector<16xi32>
      %add3A_555 = arith.addi %mul3A_552, %add3A_554 : vector<16xi32>
      %gather3A_556 = tpu.vector_load_idx %arg8[%add3A_555] : memref<256xf32, #tpu.memory_space<vmem>>[vector<16xi32>], vector<16xf32>,
      %mul3A_557 = arith.constant 16 : i32
      %mul3A_558 = vector.broadcast %mul3A_557 : i32 to vector<16xi32>
      %mul3A_559 = arith.muli %iota3A_11, %mul3A_558 : vector<16xi32>
      %add3A_560 = arith.constant 8 : i32
      %add3A_561 = vector.broadcast %add3A_560 : i32 to vector<16xi32>
      %add3A_562 = arith.addi %mul3A_559, %add3A_561 : vector<16xi32>
      %gather3A_563 = tpu.vector_load_idx %arg8[%add3A_562] : memref<256xf32, #tpu.memory_space<vmem>>[vector<16xi32>], vector<16xf32>,
      %mul3A_564 = arith.constant 16 : i32
      %mul3A_565 = vector.broadcast %mul3A_564 : i32 to vector<16xi32>
      %mul3A_566 = arith.muli %iota3A_11, %mul3A_565 : vector<16xi32>
      %add3A_567 = arith.constant 9 : i32
      %add3A_568 = vector.broadcast %add3A_567 : i32 to vector<16xi32>
      %add3A_569 = arith.addi %mul3A_566, %add3A_568 : vector<16xi32>
      %gather3A_570 = tpu.vector_load_idx %arg8[%add3A_569] : memref<256xf32, #tpu.memory_space<vmem>>[vector<16xi32>], vector<16xf32>,
      %mul3A_571 = arith.constant 16 : i32
      %mul3A_572 = vector.broadcast %mul3A_571 : i32 to vector<16xi32>
      %mul3A_573 = arith.muli %iota3A_11, %mul3A_572 : vector<16xi32>
      %add3A_574 = arith.constant 10 : i32
      %add3A_575 = vector.broadcast %add3A_574 : i32 to vector<16xi32>
      %add3A_576 = arith.addi %mul3A_573, %add3A_575 : vector<16xi32>
      %gather3A_577 = tpu.vector_load_idx %arg8[%add3A_576] : memref<256xf32, #tpu.memory_space<vmem>>[vector<16xi32>], vector<16xf32>,
      %mul3A_578 = arith.constant 16 : i32
      %mul3A_579 = vector.broadcast %mul3A_578 : i32 to vector<16xi32>
      %mul3A_580 = arith.muli %iota3A_11, %mul3A_579 : vector<16xi32>
      %add3A_581 = arith.constant 11 : i32
      %add3A_582 = vector.broadcast %add3A_581 : i32 to vector<16xi32>
      %add3A_583 = arith.addi %mul3A_580, %add3A_582 : vector<16xi32>
      %gather3A_584 = tpu.vector_load_idx %arg8[%add3A_583] : memref<256xf32, #tpu.memory_space<vmem>>[vector<16xi32>], vector<16xf32>,
      %mul3A_585 = arith.constant 16 : i32
      %mul3A_586 = vector.broadcast %mul3A_585 : i32 to vector<16xi32>
      %mul3A_587 = arith.muli %iota3A_11, %mul3A_586 : vector<16xi32>
      %add3A_588 = arith.constant 12 : i32
      %add3A_589 = vector.broadcast %add3A_588 : i32 to vector<16xi32>
      %add3A_590 = arith.addi %mul3A_587, %add3A_589 : vector<16xi32>
      %gather3A_591 = tpu.vector_load_idx %arg8[%add3A_590] : memref<256xf32, #tpu.memory_space<vmem>>[vector<16xi32>], vector<16xf32>,
      %mul3A_592 = arith.constant 16 : i32
      %mul3A_593 = vector.broadcast %mul3A_592 : i32 to vector<16xi32>
      %mul3A_594 = arith.muli %iota3A_11, %mul3A_593 : vector<16xi32>
      %add3A_595 = arith.constant 13 : i32
      %add3A_596 = vector.broadcast %add3A_595 : i32 to vector<16xi32>
      %add3A_597 = arith.addi %mul3A_594, %add3A_596 : vector<16xi32>
      %gather3A_598 = tpu.vector_load_idx %arg8[%add3A_597] : memref<256xf32, #tpu.memory_space<vmem>>[vector<16xi32>], vector<16xf32>,
      %mul3A_599 = arith.constant 16 : i32
      %mul3A_600 = vector.broadcast %mul3A_599 : i32 to vector<16xi32>
      %mul3A_601 = arith.muli %iota3A_11, %mul3A_600 : vector<16xi32>
      %add3A_602 = arith.constant 14 : i32
      %add3A_603 = vector.broadcast %add3A_602 : i32 to vector<16xi32>
      %add3A_604 = arith.addi %mul3A_601, %add3A_603 : vector<16xi32>
      %gather3A_605 = tpu.vector_load_idx %arg8[%add3A_604] : memref<256xf32, #tpu.memory_space<vmem>>[vector<16xi32>], vector<16xf32>,
      %mul3A_606 = arith.constant 16 : i32
      %mul3A_607 = vector.broadcast %mul3A_606 : i32 to vector<16xi32>
      %mul3A_608 = arith.muli %iota3A_11, %mul3A_607 : vector<16xi32>
      %add3A_609 = arith.constant 15 : i32
      %add3A_610 = vector.broadcast %add3A_609 : i32 to vector<16xi32>
      %add3A_611 = arith.addi %mul3A_608, %add3A_610 : vector<16xi32>
      %gather3A_612 = tpu.vector_load_idx %arg8[%add3A_611] : memref<256xf32, #tpu.memory_space<vmem>>[vector<16xi32>], vector<16xf32>,
      %add3A_613 = arith.addf %gather3A, %gather3A_514 : vector<16xf32>
      %add3A_614 = arith.addf %gather3A_521, %gather3A_528 : vector<16xf32>
      %add3A_615 = arith.addf %gather3A_535, %gather3A_542 : vector<16xf32>
      %add3A_616 = arith.addf %gather3A_549, %gather3A_556 : vector<16xf32>
      %add3A_617 = arith.addf %gather3A_563, %gather3A_570 : vector<16xf32>
      %add3A_618 = arith.addf %gather3A_577, %gather3A_584 : vector<16xf32>
      %add3A_619 = arith.addf %gather3A_591, %gather3A_598 : vector<16xf32>
      %add3A_620 = arith.addf %gather3A_605, %gather3A_612 : vector<16xf32>
      %add3A_621 = arith.addf %add3A_613, %add3A_614 : vector<16xf32>
      %add3A_622 = arith.addf %add3A_615, %add3A_616 : vector<16xf32>
      %add3A_623 = arith.addf %add3A_617, %add3A_618 : vector<16xf32>
      %add3A_624 = arith.addf %add3A_619, %add3A_620 : vector<16xf32>
      %add3A_625 = arith.addf %add3A_621, %add3A_622 : vector<16xf32>
      %add3A_626 = arith.addf %add3A_623, %add3A_624 : vector<16xf32>
      %add3A_627 = arith.addf %add3A_625, %add3A_626 : vector<16xf32>
      %mul3A_628 = arith.constant 16 : i32
      %mul3A_629 = arith.muli %scan3A_33, %mul3A_628 : i32
      %sub3A_630 = arith.constant 320 : i32
      %sub3A_631 = arith.subi %sub3A_630, %mul3A_629 : i32
      %lt3A = vector.broadcast %sub3A_631 : i32 to vector<16xi32>
      %lt3A_632 = arith.cmpi slt, %iota3A_11, %lt3A : vector<16xi32>
      %jit3A = arith.constant 0x7F800000 : f32
      %broadcast_in_dim3A_633 = vector.broadcast %jit3A : f32 to vector<16xf32>
      %select_n3A = arith.select %lt3A_632, %add3A_627, %broadcast_in_dim3A_633 : vector<16xi1>, vector<16xf32>
      %reduce_min3A = arith.constant true
      %reduce_min3A_634 = vector.broadcast %reduce_min3A : i1 to vector<16xi1>
      %reduce_min3A_635 = tpu.scan <min>, %select_n3A masked %reduce_min3A_634 : vector<16xf32>, vector<16xi1> -> vector<16xf32>
      %reduce_min3A_636 = vector.extract %reduce_min3A_635[15] : f32 from vector<16xf32>
      %lt3A_637 = arith.cmpf olt, %reduce_min3A_636, %scan3A_35 : f32
      %convert_element_type3A = arith.extui %lt3A_637 : i1 to i32
      %cond3A = arith.constant 0 : i32
      %cond3A_638 = arith.cmpi ne, %convert_element_type3A, %cond3A : i32
      %cond3A_639:2 = scf.if %cond3A_638 -> (vector<16xf32>, f32) {
        %masked_sort3A = arith.constant dense<true> : vector<16xi1>
        %masked_sort3A_640, %masked_sort3A_641, %masked_sort3A_642 = tpu.sort %select_n3A, %select_n3A masked %masked_sort3A : (vector<16xf32>, vector<16xf32>, vector<16xi1>) -> (vector<16xi1>, vector<16xf32>, vector<16xf32>)
        %rev3A = arith.constant 15 : i32
        %rev3A_643 = vector.broadcast %rev3A : i32 to vector<16xi32>
        %rev3A_644 = tpu.iota {dimensions = array<i32: 0>} : vector<16xi32>
        %rev3A_645 = arith.subi %rev3A_643, %rev3A_644 : vector<16xi32>
        %rev3A_646 = tpu.dynamic_gather %masked_sort3A_641[%rev3A_645] in [0] : vector<16xf32>, vector<16xi32> -> vector<16xf32>
        %min3A_647 = arith.minimumf %scan3A_34, %rev3A_646 : vector<16xf32>
        %masked_sort3A_648 = arith.constant dense<true> : vector<16xi1>
        %masked_sort3A_649, %masked_sort3A_650, %masked_sort3A_651 = tpu.sort %min3A_647, %min3A_647 masked %masked_sort3A_648 : (vector<16xf32>, vector<16xf32>, vector<16xi1>) -> (vector<16xi1>, vector<16xf32>, vector<16xf32>)
        %reduce_max3A = arith.constant true
        %reduce_max3A_652 = vector.broadcast %reduce_max3A : i1 to vector<16xi1>
        %reduce_max3A_653 = tpu.scan <max>, %masked_sort3A_650 masked %reduce_max3A_652 : vector<16xf32>, vector<16xi1> -> vector<16xf32>
        %reduce_max3A_654 = vector.extract %reduce_max3A_653[15] : f32 from vector<16xf32>
        scf.yield %masked_sort3A_650, %reduce_max3A_654 : vector<16xf32>, f32
      } else {
        scf.yield %scan3A_34, %scan3A_35 : vector<16xf32>, f32
      }
      scf.yield %cond3A_639#0, %cond3A_639#1 : vector<16xf32>, f32
    }
    %scan3A_17 = arith.constant 20 : i32
    %swap3A = arith.constant 0 : index
    %swap3A_18 = tpu.vector_load %arg10[%swap3A] {strides = array<i32>} : memref<16xf32, #tpu.memory_space<vmem>>, vector<16xf32>,
    tpu.vector_store %arg10[%swap3A], %scan3A_16#0 {strides = array<i32>} : memref<16xf32, #tpu.memory_space<vmem>>, vector<16xf32>,
    "tpu.region"() ({
      %run_scoped3A = tpu.sem_alloc : memref<!tpu.dma_semaphore, #tpu.memory_space<semaphore_mem>>
      %dma_start3A = arith.constant 0 : i32
      %dma_start3A_33 = tpu.memref_slice %arg6[%add3A, %dma_start3A] : memref<32x16xf32, #tpu.memory_space<hbm>> -> memref<1x16xf32, #tpu.memory_space<hbm>>
      %dma_start3A_34 = tpu.memref_squeeze %dma_start3A_33 : memref<1x16xf32, #tpu.memory_space<hbm>> -> memref<16xf32, #tpu.memory_space<hbm>>
      %dma_start3A_35 = arith.constant 0 : i32
      %dma_start3A_36 = tpu.memref_slice %arg6[%add3A, %dma_start3A_35] : memref<32x16xf32, #tpu.memory_space<hbm>> -> memref<1x16xf32, #tpu.memory_space<hbm>>
      %dma_start3A_37 = tpu.memref_squeeze %dma_start3A_36 : memref<1x16xf32, #tpu.memory_space<hbm>> -> memref<16xf32, #tpu.memory_space<hbm>>
      tpu.enqueue_dma source(%arg10 : memref<16xf32, #tpu.memory_space<vmem>>) target(%dma_start3A_37 : memref<16xf32, #tpu.memory_space<hbm>>) target_semaphore(%run_scoped3A : memref<!tpu.dma_semaphore, #tpu.memory_space<semaphore_mem>>)
      %dma_wait3A = arith.constant 0 : i32
      %dma_wait3A_38 = tpu.memref_slice %arg6[%add3A, %dma_wait3A] : memref<32x16xf32, #tpu.memory_space<hbm>> -> memref<1x16xf32, #tpu.memory_space<hbm>>
      %dma_wait3A_39 = tpu.memref_squeeze %dma_wait3A_38 : memref<1x16xf32, #tpu.memory_space<hbm>> -> memref<16xf32, #tpu.memory_space<hbm>>
      %dma_wait3A_40 = arith.constant 0 : i32
      %dma_wait3A_41 = tpu.memref_slice %arg6[%add3A, %dma_wait3A_40] : memref<32x16xf32, #tpu.memory_space<hbm>> -> memref<1x16xf32, #tpu.memory_space<hbm>>
      %dma_wait3A_42 = tpu.memref_squeeze %dma_wait3A_41 : memref<1x16xf32, #tpu.memory_space<hbm>> -> memref<16xf32, #tpu.memory_space<hbm>>
      tpu.wait_dma2 semaphore(%run_scoped3A : memref<!tpu.dma_semaphore, #tpu.memory_space<semaphore_mem>>) src(%arg10 : memref<16xf32, #tpu.memory_space<vmem>>) dst(%dma_wait3A_42 : memref<16xf32, #tpu.memory_space<hbm>>)
      tpu.yield
    }) : () -> ()
    %mul3A_19 = arith.constant 31250 : i32
    %mul3A_20 = arith.muli %add3A, %mul3A_19 : i32
    %rem3A = arith.constant 8 : i32
    %rem3A_21 = arith.remsi %mul3A_20, %rem3A : i32
    %sub3A = arith.subi %mul3A_20, %rem3A_21 : i32
    %min3A = arith.constant 968736 : i32
    %min3A_22 = arith.minsi %sub3A, %min3A : i32
    %multiple_of3A = tpu.assume_multiple %min3A_22, 8 : i32
    %sub3A_23 = arith.subi %mul3A_20, %multiple_of3A : i32
    "tpu.region"() ({
      %run_scoped3A = tpu.sem_alloc : memref<!tpu.dma_semaphore, #tpu.memory_space<semaphore_mem>>
      %dma_start3A = arith.constant 0 : i32
      %dma_start3A_33 = tpu.memref_slice %arg7[%dma_start3A] : memref<31328xf32, #tpu.memory_space<vmem>> -> memref<31264xf32, #tpu.memory_space<vmem>>
      %dma_start3A_34 = tpu.memref_slice %arg2[%multiple_of3A] : memref<1000000xf32, #tpu.memory_space<hbm>> -> memref<31264xf32, #tpu.memory_space<hbm>>
      %dma_start3A_35 = arith.constant 0 : i32
      %dma_start3A_36 = tpu.memref_slice %arg7[%dma_start3A_35] : memref<31328xf32, #tpu.memory_space<vmem>> -> memref<31264xf32, #tpu.memory_space<vmem>>
      %dma_start3A_37 = tpu.memref_slice %arg2[%multiple_of3A] : memref<1000000xf32, #tpu.memory_space<hbm>> -> memref<31264xf32, #tpu.memory_space<hbm>>
      tpu.enqueue_dma source(%dma_start3A_37 : memref<31264xf32, #tpu.memory_space<hbm>>) target(%dma_start3A_36 : memref<31264xf32, #tpu.memory_space<vmem>>) target_semaphore(%run_scoped3A : memref<!tpu.dma_semaphore, #tpu.memory_space<semaphore_mem>>)
      %dma_wait3A = arith.constant 0 : i32
      %dma_wait3A_38 = tpu.memref_slice %arg7[%dma_wait3A] : memref<31328xf32, #tpu.memory_space<vmem>> -> memref<31264xf32, #tpu.memory_space<vmem>>
      %dma_wait3A_39 = tpu.memref_slice %arg2[%multiple_of3A] : memref<1000000xf32, #tpu.memory_space<hbm>> -> memref<31264xf32, #tpu.memory_space<hbm>>
      %dma_wait3A_40 = arith.constant 0 : i32
      %dma_wait3A_41 = tpu.memref_slice %arg7[%dma_wait3A_40] : memref<31328xf32, #tpu.memory_space<vmem>> -> memref<31264xf32, #tpu.memory_space<vmem>>
      %dma_wait3A_42 = tpu.memref_slice %arg2[%multiple_of3A] : memref<1000000xf32, #tpu.memory_space<hbm>> -> memref<31264xf32, #tpu.memory_space<hbm>>
      tpu.wait_dma2 semaphore(%run_scoped3A : memref<!tpu.dma_semaphore, #tpu.memory_space<semaphore_mem>>) src(%dma_wait3A_42 : memref<31264xf32, #tpu.memory_space<hbm>>) dst(%dma_wait3A_41 : memref<31264xf32, #tpu.memory_space<vmem>>)
      tpu.yield
    }) : () -> ()
    %scan3A_24 = arith.constant 0x7F800000 : f32
    %scan3A_25 = arith.constant 0 : i32
    %scan3A_26 = arith.constant 489 : i32
    %scan3A_27 = arith.addi %scan3A_25, %scan3A_26 : i32
    %scan3A_28 = arith.constant 1 : i32
    %scan3A_29:2 = scf.for %scan3A_33 = %scan3A_25 to %scan3A_27 step %scan3A_28 iter_args(%scan3A_34 = %broadcast_in_dim3A_1, %scan3A_35 = %scan3A_24) -> (vector<16xf32>, f32)  : i32 {
      %mul3A_36 = arith.constant 64 : i32
      %mul3A_37 = arith.muli %scan3A_33, %mul3A_36 : i32
      %add3A_38 = arith.addi %sub3A_23, %mul3A_37 : i32
      %mul3A_39 = arith.constant 64 : i32
      %mul3A_40 = arith.muli %scan3A_33, %mul3A_39 : i32
      %sub3A_41 = arith.constant 31250 : i32
      %sub3A_42 = arith.subi %sub3A_41, %mul3A_40 : i32
      %sub3A_43 = arith.constant 0 : i32
      %sub3A_44 = arith.subi %sub3A_42, %sub3A_43 : i32
      %lt3A = vector.broadcast %sub3A_44 : i32 to vector<16xi32>
      %lt3A_45 = arith.cmpi slt, %iota3A, %lt3A : vector<16xi32>
      %add3A_46 = arith.constant 0 : i32
      %add3A_47 = arith.addi %add3A_38, %add3A_46 : i32
      %get3A_48 = arith.index_cast %add3A_47 : i32 to index
      %get3A_49 = tpu.vector_load %arg7[%get3A_48] {strides = array<i32>} : memref<31328xf32, #tpu.memory_space<vmem>>, vector<16xf32>,
      %jit3A = arith.constant 0x7F800000 : f32
      %broadcast_in_dim3A_50 = vector.broadcast %jit3A : f32 to vector<16xf32>
      %select_n3A = arith.select %lt3A_45, %get3A_49, %broadcast_in_dim3A_50 : vector<16xi1>, vector<16xf32>
      %sub3A_51 = arith.constant 16 : i32
      %sub3A_52 = arith.subi %sub3A_42, %sub3A_51 : i32
      %lt3A_53 = vector.broadcast %sub3A_52 : i32 to vector<16xi32>
      %lt3A_54 = arith.cmpi slt, %iota3A, %lt3A_53 : vector<16xi32>
      %add3A_55 = arith.constant 16 : i32
      %add3A_56 = arith.addi %add3A_38, %add3A_55 : i32
      %get3A_57 = arith.index_cast %add3A_56 : i32 to index
      %get3A_58 = tpu.vector_load %arg7[%get3A_57] {strides = array<i32>} : memref<31328xf32, #tpu.memory_space<vmem>>, vector<16xf32>,
      %jit3A_59 = arith.constant 0x7F800000 : f32
      %broadcast_in_dim3A_60 = vector.broadcast %jit3A_59 : f32 to vector<16xf32>
      %select_n3A_61 = arith.select %lt3A_54, %get3A_58, %broadcast_in_dim3A_60 : vector<16xi1>, vector<16xf32>
      %sub3A_62 = arith.constant 32 : i32
      %sub3A_63 = arith.subi %sub3A_42, %sub3A_62 : i32
      %lt3A_64 = vector.broadcast %sub3A_63 : i32 to vector<16xi32>
      %lt3A_65 = arith.cmpi slt, %iota3A, %lt3A_64 : vector<16xi32>
      %add3A_66 = arith.constant 32 : i32
      %add3A_67 = arith.addi %add3A_38, %add3A_66 : i32
      %get3A_68 = arith.index_cast %add3A_67 : i32 to index
      %get3A_69 = tpu.vector_load %arg7[%get3A_68] {strides = array<i32>} : memref<31328xf32, #tpu.memory_space<vmem>>, vector<16xf32>,
      %jit3A_70 = arith.constant 0x7F800000 : f32
      %broadcast_in_dim3A_71 = vector.broadcast %jit3A_70 : f32 to vector<16xf32>
      %select_n3A_72 = arith.select %lt3A_65, %get3A_69, %broadcast_in_dim3A_71 : vector<16xi1>, vector<16xf32>
      %sub3A_73 = arith.constant 48 : i32
      %sub3A_74 = arith.subi %sub3A_42, %sub3A_73 : i32
      %lt3A_75 = vector.broadcast %sub3A_74 : i32 to vector<16xi32>
      %lt3A_76 = arith.cmpi slt, %iota3A, %lt3A_75 : vector<16xi32>
      %add3A_77 = arith.constant 48 : i32
      %add3A_78 = arith.addi %add3A_38, %add3A_77 : i32
      %get3A_79 = arith.index_cast %add3A_78 : i32 to index
      %get3A_80 = tpu.vector_load %arg7[%get3A_79] {strides = array<i32>} : memref<31328xf32, #tpu.memory_space<vmem>>, vector<16xf32>,
      %jit3A_81 = arith.constant 0x7F800000 : f32
      %broadcast_in_dim3A_82 = vector.broadcast %jit3A_81 : f32 to vector<16xf32>
      %select_n3A_83 = arith.select %lt3A_76, %get3A_80, %broadcast_in_dim3A_82 : vector<16xi1>, vector<16xf32>
      %min3A_84 = arith.minimumf %select_n3A, %select_n3A_61 : vector<16xf32>
      %min3A_85 = arith.minimumf %select_n3A_72, %select_n3A_83 : vector<16xf32>
      %min3A_86 = arith.minimumf %min3A_84, %min3A_85 : vector<16xf32>
      %reduce_min3A = arith.constant true
      %reduce_min3A_87 = vector.broadcast %reduce_min3A : i1 to vector<16xi1>
      %reduce_min3A_88 = tpu.scan <min>, %min3A_86 masked %reduce_min3A_87 : vector<16xf32>, vector<16xi1> -> vector<16xf32>
      %reduce_min3A_89 = vector.extract %reduce_min3A_88[15] : f32 from vector<16xf32>
      %lt3A_90 = arith.cmpf olt, %reduce_min3A_89, %scan3A_35 : f32
      %convert_element_type3A = arith.extui %lt3A_90 : i1 to i32
      %cond3A = arith.constant 0 : i32
      %cond3A_91 = arith.cmpi ne, %convert_element_type3A, %cond3A : i32
      %cond3A_92:2 = scf.if %cond3A_91 -> (vector<16xf32>, f32) {
        %masked_sort3A = arith.constant dense<true> : vector<16xi1>
        %masked_sort3A_93, %masked_sort3A_94, %masked_sort3A_95 = tpu.sort %select_n3A, %select_n3A masked %masked_sort3A : (vector<16xf32>, vector<16xf32>, vector<16xi1>) -> (vector<16xi1>, vector<16xf32>, vector<16xf32>)
        %rev3A = arith.constant 15 : i32
        %rev3A_96 = vector.broadcast %rev3A : i32 to vector<16xi32>
        %rev3A_97 = tpu.iota {dimensions = array<i32: 0>} : vector<16xi32>
        %rev3A_98 = arith.subi %rev3A_96, %rev3A_97 : vector<16xi32>
        %rev3A_99 = tpu.dynamic_gather %masked_sort3A_94[%rev3A_98] in [0] : vector<16xf32>, vector<16xi32> -> vector<16xf32>
        %min3A_100 = arith.minimumf %scan3A_34, %rev3A_99 : vector<16xf32>
        %masked_sort3A_101 = arith.constant dense<true> : vector<16xi1>
        %masked_sort3A_102, %masked_sort3A_103, %masked_sort3A_104 = tpu.sort %min3A_100, %min3A_100 masked %masked_sort3A_101 : (vector<16xf32>, vector<16xf32>, vector<16xi1>) -> (vector<16xi1>, vector<16xf32>, vector<16xf32>)
        %masked_sort3A_105 = arith.constant dense<true> : vector<16xi1>
        %masked_sort3A_106, %masked_sort3A_107, %masked_sort3A_108 = tpu.sort %select_n3A_61, %select_n3A_61 masked %masked_sort3A_105 : (vector<16xf32>, vector<16xf32>, vector<16xi1>) -> (vector<16xi1>, vector<16xf32>, vector<16xf32>)
        %rev3A_109 = arith.constant 15 : i32
        %rev3A_110 = vector.broadcast %rev3A_109 : i32 to vector<16xi32>
        %rev3A_111 = tpu.iota {dimensions = array<i32: 0>} : vector<16xi32>
        %rev3A_112 = arith.subi %rev3A_110, %rev3A_111 : vector<16xi32>
        %rev3A_113 = tpu.dynamic_gather %masked_sort3A_107[%rev3A_112] in [0] : vector<16xf32>, vector<16xi32> -> vector<16xf32>
        %min3A_114 = arith.minimumf %masked_sort3A_103, %rev3A_113 : vector<16xf32>
        %masked_sort3A_115 = arith.constant dense<true> : vector<16xi1>
        %masked_sort3A_116, %masked_sort3A_117, %masked_sort3A_118 = tpu.sort %min3A_114, %min3A_114 masked %masked_sort3A_115 : (vector<16xf32>, vector<16xf32>, vector<16xi1>) -> (vector<16xi1>, vector<16xf32>, vector<16xf32>)
        %masked_sort3A_119 = arith.constant dense<true> : vector<16xi1>
        %masked_sort3A_120, %masked_sort3A_121, %masked_sort3A_122 = tpu.sort %select_n3A_72, %select_n3A_72 masked %masked_sort3A_119 : (vector<16xf32>, vector<16xf32>, vector<16xi1>) -> (vector<16xi1>, vector<16xf32>, vector<16xf32>)
        %rev3A_123 = arith.constant 15 : i32
        %rev3A_124 = vector.broadcast %rev3A_123 : i32 to vector<16xi32>
        %rev3A_125 = tpu.iota {dimensions = array<i32: 0>} : vector<16xi32>
        %rev3A_126 = arith.subi %rev3A_124, %rev3A_125 : vector<16xi32>
        %rev3A_127 = tpu.dynamic_gather %masked_sort3A_121[%rev3A_126] in [0] : vector<16xf32>, vector<16xi32> -> vector<16xf32>
        %min3A_128 = arith.minimumf %masked_sort3A_117, %rev3A_127 : vector<16xf32>
        %masked_sort3A_129 = arith.constant dense<true> : vector<16xi1>
        %masked_sort3A_130, %masked_sort3A_131, %masked_sort3A_132 = tpu.sort %min3A_128, %min3A_128 masked %masked_sort3A_129 : (vector<16xf32>, vector<16xf32>, vector<16xi1>) -> (vector<16xi1>, vector<16xf32>, vector<16xf32>)
        %masked_sort3A_133 = arith.constant dense<true> : vector<16xi1>
        %masked_sort3A_134, %masked_sort3A_135, %masked_sort3A_136 = tpu.sort %select_n3A_83, %select_n3A_83 masked %masked_sort3A_133 : (vector<16xf32>, vector<16xf32>, vector<16xi1>) -> (vector<16xi1>, vector<16xf32>, vector<16xf32>)
        %rev3A_137 = arith.constant 15 : i32
        %rev3A_138 = vector.broadcast %rev3A_137 : i32 to vector<16xi32>
        %rev3A_139 = tpu.iota {dimensions = array<i32: 0>} : vector<16xi32>
        %rev3A_140 = arith.subi %rev3A_138, %rev3A_139 : vector<16xi32>
        %rev3A_141 = tpu.dynamic_gather %masked_sort3A_135[%rev3A_140] in [0] : vector<16xf32>, vector<16xi32> -> vector<16xf32>
        %min3A_142 = arith.minimumf %masked_sort3A_131, %rev3A_141 : vector<16xf32>
        %masked_sort3A_143 = arith.constant dense<true> : vector<16xi1>
        %masked_sort3A_144, %masked_sort3A_145, %masked_sort3A_146 = tpu.sort %min3A_142, %min3A_142 masked %masked_sort3A_143 : (vector<16xf32>, vector<16xf32>, vector<16xi1>) -> (vector<16xi1>, vector<16xf32>, vector<16xf32>)
        %reduce_max3A = arith.constant true
        %reduce_max3A_147 = vector.broadcast %reduce_max3A : i1 to vector<16xi1>
        %reduce_max3A_148 = tpu.scan <max>, %masked_sort3A_145 masked %reduce_max3A_147 : vector<16xf32>, vector<16xi1> -> vector<16xf32>
        %reduce_max3A_149 = vector.extract %reduce_max3A_148[15] : f32 from vector<16xf32>
        scf.yield %masked_sort3A_145, %reduce_max3A_149 : vector<16xf32>, f32
      } else {
        scf.yield %scan3A_34, %scan3A_35 : vector<16xf32>, f32
      }
      scf.yield %cond3A_92#0, %cond3A_92#1 : vector<16xf32>, f32
    }
    %scan3A_30 = arith.constant 489 : i32
    %swap3A_31 = arith.constant 0 : index
    %swap3A_32 = tpu.vector_load %arg10[%swap3A_31] {strides = array<i32>} : memref<16xf32, #tpu.memory_space<vmem>>, vector<16xf32>,
    tpu.vector_store %arg10[%swap3A_31], %scan3A_29#0 {strides = array<i32>} : memref<16xf32, #tpu.memory_space<vmem>>, vector<16xf32>,
    "tpu.region"() ({
      %run_scoped3A = tpu.sem_alloc : memref<!tpu.dma_semaphore, #tpu.memory_space<semaphore_mem>>
      %dma_start3A = arith.constant 0 : i32
      %dma_start3A_33 = tpu.memref_slice %arg5[%add3A, %dma_start3A] : memref<32x16xf32, #tpu.memory_space<hbm>> -> memref<1x16xf32, #tpu.memory_space<hbm>>
      %dma_start3A_34 = tpu.memref_squeeze %dma_start3A_33 : memref<1x16xf32, #tpu.memory_space<hbm>> -> memref<16xf32, #tpu.memory_space<hbm>>
      %dma_start3A_35 = arith.constant 0 : i32
      %dma_start3A_36 = tpu.memref_slice %arg5[%add3A, %dma_start3A_35] : memref<32x16xf32, #tpu.memory_space<hbm>> -> memref<1x16xf32, #tpu.memory_space<hbm>>
      %dma_start3A_37 = tpu.memref_squeeze %dma_start3A_36 : memref<1x16xf32, #tpu.memory_space<hbm>> -> memref<16xf32, #tpu.memory_space<hbm>>
      tpu.enqueue_dma source(%arg10 : memref<16xf32, #tpu.memory_space<vmem>>) target(%dma_start3A_37 : memref<16xf32, #tpu.memory_space<hbm>>) target_semaphore(%run_scoped3A : memref<!tpu.dma_semaphore, #tpu.memory_space<semaphore_mem>>)
      %dma_wait3A = arith.constant 0 : i32
      %dma_wait3A_38 = tpu.memref_slice %arg5[%add3A, %dma_wait3A] : memref<32x16xf32, #tpu.memory_space<hbm>> -> memref<1x16xf32, #tpu.memory_space<hbm>>
      %dma_wait3A_39 = tpu.memref_squeeze %dma_wait3A_38 : memref<1x16xf32, #tpu.memory_space<hbm>> -> memref<16xf32, #tpu.memory_space<hbm>>
      %dma_wait3A_40 = arith.constant 0 : i32
      %dma_wait3A_41 = tpu.memref_slice %arg5[%add3A, %dma_wait3A_40] : memref<32x16xf32, #tpu.memory_space<hbm>> -> memref<1x16xf32, #tpu.memory_space<hbm>>
      %dma_wait3A_42 = tpu.memref_squeeze %dma_wait3A_41 : memref<1x16xf32, #tpu.memory_space<hbm>> -> memref<16xf32, #tpu.memory_space<hbm>>
      tpu.wait_dma2 semaphore(%run_scoped3A : memref<!tpu.dma_semaphore, #tpu.memory_space<semaphore_mem>>) src(%arg10 : memref<16xf32, #tpu.memory_space<vmem>>) dst(%dma_wait3A_42 : memref<16xf32, #tpu.memory_space<hbm>>)
      tpu.yield
    }) : () -> ()
    return
  }
}

module attributes {stable_mosaic.version = 14 : i64} {
  func.func @_dist2_body(%arg0: i32, %arg1: memref<25000x64xf32, #tpu.memory_space<vmem>>, %arg2: memref<1x64xf32, #tpu.memory_space<vmem>>, %arg3: memref<1x1x25000xf32, #tpu.memory_space<vmem>>) attributes {dimension_semantics = [#tpu.dimension_semantics<arbitrary>], iteration_bounds = array<i64: 40>, scalar_prefetch = 0 : i64, scratch_operands = 0 : i64, tpu.core_type = #tpu.core_type<tc>, window_params = [{transform_indices = @transform_0, window_bounds = array<i64: 25000, 64>}, {pipeline_mode = #tpu.pipeline_mode<synchronous>, transform_indices = @transform_1, window_bounds = array<i64: 1, 64>}, {transform_indices = @transform_2, window_bounds = array<i64: 1, 1, 25000>}]} {
    %get3A = arith.constant 0 : index
    %get3A_0 = arith.constant 0 : index
    %get3A_1 = vector.load %arg1[%get3A, %get3A_0] : memref<25000x64xf32, #tpu.memory_space<vmem>>, vector<25000x64xf32>
    %get3A_2 = arith.constant 0 : index
    %get3A_3 = arith.constant 0 : index
    %get3A_4 = vector.load %arg2[%get3A_2, %get3A_3] : memref<1x64xf32, #tpu.memory_space<vmem>>, vector<1x64xf32>
    %sub3A = vector.broadcast %get3A_4 : vector<1x64xf32> to vector<25000x64xf32>
    %sub3A_5 = arith.subf %get3A_1, %sub3A : vector<25000x64xf32>
    %mul3A = arith.mulf %sub3A_5, %sub3A_5 : vector<25000x64xf32>
    %broadcast_in_dim3A = arith.constant 1.000000e+00 : f32
    %broadcast_in_dim3A_6 = vector.broadcast %broadcast_in_dim3A : f32 to vector<1x64xf32>
    %dot_general3A = arith.constant dense<0.000000e+00> : vector<1x25000xf32>
    %dot_general3A_7 = tpu.matmul %broadcast_in_dim3A_6, %mul3A, %dot_general3A {dimension_numbers = #tpu.dot_dimension_numbers<[1], [1], [0], [0], [0, 0, 1, 0], [], []>, transpose_lhs_hint = false} : vector<1x64xf32>, vector<25000x64xf32>, vector<1x25000xf32> -> vector<1x25000xf32>
    %broadcast_in_dim3A_8 = vector.shape_cast %dot_general3A_7 : vector<1x25000xf32> to vector<1x1x25000xf32>
    %swap3A = arith.constant 0 : index
    %swap3A_9 = arith.constant 0 : index
    %swap3A_10 = arith.constant 0 : index
    %swap3A_11 = vector.load %arg3[%swap3A, %swap3A_9, %swap3A_10] : memref<1x1x25000xf32, #tpu.memory_space<vmem>>, vector<1x1x25000xf32>
    tpu.vector_store %arg3[%swap3A, %swap3A_9, %swap3A_10], %broadcast_in_dim3A_8 {strides = array<i32>} : memref<1x1x25000xf32, #tpu.memory_space<vmem>>, vector<1x1x25000xf32>,
    return
  }
  func.func @transform_0(%arg0: i32) -> (i32, i32) {
    %c0_i32 = arith.constant 0 : i32
    %c0_i32_0 = arith.constant 0 : i32
    return %arg0, %c0_i32 : i32, i32
  }
  func.func @transform_1(%arg0: i32) -> (i32, i32) {
    %c0_i32 = arith.constant 0 : i32
    %c0_i32_0 = arith.constant 0 : i32
    %c0_i32_1 = arith.constant 0 : i32
    return %c0_i32, %c0_i32_0 : i32, i32
  }
  func.func @transform_2(%arg0: i32) -> (i32, i32, i32) {
    %c0_i32 = arith.constant 0 : i32
    %c0_i32_0 = arith.constant 0 : i32
    %c0_i32_1 = arith.constant 0 : i32
    return %arg0, %c0_i32, %c0_i32_0 : i32, i32, i32
  }
}

module attributes {stable_mosaic.version = 14 : i64} {
  func.func @_final_body(%arg0: memref<32x16xf32, #tpu.memory_space<vmem>>, %arg1: memref<32x16xf32, #tpu.memory_space<vmem>>, %arg2: memref<8x128xf32, #tpu.memory_space<vmem>>) attributes {dimension_semantics = [], scalar_prefetch = 0 : i64, scratch_operands = 0 : i64, tpu.core_type = #tpu.core_type<tc>} {
    %get3A = arith.constant 0 : index
    %get3A_0 = arith.constant 0 : index
    %get3A_1 = vector.load %arg0[%get3A, %get3A_0] : memref<32x16xf32, #tpu.memory_space<vmem>>, vector<32x16xf32>
    %get3A_2 = arith.constant 0 : index
    %get3A_3 = arith.constant 0 : index
    %get3A_4 = vector.load %arg1[%get3A_2, %get3A_3] : memref<32x16xf32, #tpu.memory_space<vmem>>, vector<32x16xf32>
    %iota3A = tpu.iota {dimensions = array<i32: 0>} : vector<32x16xi32>
    %mul3A = arith.constant 16 : i32
    %mul3A_5 = vector.broadcast %mul3A : i32 to vector<32x16xi32>
    %mul3A_6 = arith.muli %iota3A, %mul3A_5 : vector<32x16xi32>
    %iota3A_7 = tpu.iota {dimensions = array<i32: 1>} : vector<32x16xi32>
    %add3A = arith.addi %mul3A_6, %iota3A_7 : vector<32x16xi32>
    %reduce_min3A = vector.shape_cast %get3A_4 : vector<32x16xf32> to vector<1x32x16xf32>
    %reduce_min3A_8 = arith.constant dense<0x7F800000> : vector<1xf32>
    %reduce_min3A_9 = vector.multi_reduction <minimumf>, %reduce_min3A, %reduce_min3A_8 [1, 2] : vector<1x32x16xf32> to vector<1xf32>
    %reduce_min3A_10 = vector.shape_cast %reduce_min3A_9 : vector<1xf32> to vector<1x1x1xf32>
    %reduce_min3A_11 = vector.extract %reduce_min3A_10[0, 0, 0] : f32 from vector<1x1x1xf32>
    %eq3A = vector.broadcast %reduce_min3A_11 : f32 to vector<32x16xf32>
    %eq3A_12 = arith.cmpf oeq, %get3A_4, %eq3A : vector<32x16xf32>
    %jit3A = arith.constant 1073741824 : i32
    %broadcast_in_dim3A = vector.broadcast %jit3A : i32 to vector<32x16xi32>
    %select_n3A = arith.select %eq3A_12, %add3A, %broadcast_in_dim3A : vector<32x16xi1>, vector<32x16xi32>
    %reduce_min3A_13 = vector.shape_cast %select_n3A : vector<32x16xi32> to vector<1x32x16xi32>
    %reduce_min3A_14 = arith.constant dense<2147483647> : vector<1xi32>
    %reduce_min3A_15 = vector.multi_reduction <minsi>, %reduce_min3A_13, %reduce_min3A_14 [1, 2] : vector<1x32x16xi32> to vector<1xi32>
    %reduce_min3A_16 = vector.shape_cast %reduce_min3A_15 : vector<1xi32> to vector<1x1x1xi32>
    %reduce_min3A_17 = vector.extract %reduce_min3A_16[0, 0, 0] : i32 from vector<1x1x1xi32>
    %eq3A_18 = vector.broadcast %reduce_min3A_17 : i32 to vector<32x16xi32>
    %eq3A_19 = arith.cmpi eq, %add3A, %eq3A_18 : vector<32x16xi32>
    %jit3A_20 = arith.constant 0x7F800000 : f32
    %broadcast_in_dim3A_21 = vector.broadcast %jit3A_20 : f32 to vector<32x16xf32>
    %select_n3A_22 = arith.select %eq3A_19, %broadcast_in_dim3A_21, %get3A_4 : vector<32x16xi1>, vector<32x16xf32>
    %sqrt3A = math.sqrt %reduce_min3A_11 : f32
    %add3A_23 = arith.constant 0.000000e+00 : f32
    %add3A_24 = arith.addf %add3A_23, %sqrt3A : f32
    %reduce_min3A_25 = vector.shape_cast %select_n3A_22 : vector<32x16xf32> to vector<1x32x16xf32>
    %reduce_min3A_26 = arith.constant dense<0x7F800000> : vector<1xf32>
    %reduce_min3A_27 = vector.multi_reduction <minimumf>, %reduce_min3A_25, %reduce_min3A_26 [1, 2] : vector<1x32x16xf32> to vector<1xf32>
    %reduce_min3A_28 = vector.shape_cast %reduce_min3A_27 : vector<1xf32> to vector<1x1x1xf32>
    %reduce_min3A_29 = vector.extract %reduce_min3A_28[0, 0, 0] : f32 from vector<1x1x1xf32>
    %eq3A_30 = vector.broadcast %reduce_min3A_29 : f32 to vector<32x16xf32>
    %eq3A_31 = arith.cmpf oeq, %select_n3A_22, %eq3A_30 : vector<32x16xf32>
    %jit3A_32 = arith.constant 1073741824 : i32
    %broadcast_in_dim3A_33 = vector.broadcast %jit3A_32 : i32 to vector<32x16xi32>
    %select_n3A_34 = arith.select %eq3A_31, %add3A, %broadcast_in_dim3A_33 : vector<32x16xi1>, vector<32x16xi32>
    %reduce_min3A_35 = vector.shape_cast %select_n3A_34 : vector<32x16xi32> to vector<1x32x16xi32>
    %reduce_min3A_36 = arith.constant dense<2147483647> : vector<1xi32>
    %reduce_min3A_37 = vector.multi_reduction <minsi>, %reduce_min3A_35, %reduce_min3A_36 [1, 2] : vector<1x32x16xi32> to vector<1xi32>
    %reduce_min3A_38 = vector.shape_cast %reduce_min3A_37 : vector<1xi32> to vector<1x1x1xi32>
    %reduce_min3A_39 = vector.extract %reduce_min3A_38[0, 0, 0] : i32 from vector<1x1x1xi32>
    %eq3A_40 = vector.broadcast %reduce_min3A_39 : i32 to vector<32x16xi32>
    %eq3A_41 = arith.cmpi eq, %add3A, %eq3A_40 : vector<32x16xi32>
    %jit3A_42 = arith.constant 0x7F800000 : f32
    %broadcast_in_dim3A_43 = vector.broadcast %jit3A_42 : f32 to vector<32x16xf32>
    %select_n3A_44 = arith.select %eq3A_41, %broadcast_in_dim3A_43, %select_n3A_22 : vector<32x16xi1>, vector<32x16xf32>
    %sqrt3A_45 = math.sqrt %reduce_min3A_29 : f32
    %add3A_46 = arith.addf %add3A_24, %sqrt3A_45 : f32
    %reduce_min3A_47 = vector.shape_cast %select_n3A_44 : vector<32x16xf32> to vector<1x32x16xf32>
    %reduce_min3A_48 = arith.constant dense<0x7F800000> : vector<1xf32>
    %reduce_min3A_49 = vector.multi_reduction <minimumf>, %reduce_min3A_47, %reduce_min3A_48 [1, 2] : vector<1x32x16xf32> to vector<1xf32>
    %reduce_min3A_50 = vector.shape_cast %reduce_min3A_49 : vector<1xf32> to vector<1x1x1xf32>
    %reduce_min3A_51 = vector.extract %reduce_min3A_50[0, 0, 0] : f32 from vector<1x1x1xf32>
    %eq3A_52 = vector.broadcast %reduce_min3A_51 : f32 to vector<32x16xf32>
    %eq3A_53 = arith.cmpf oeq, %select_n3A_44, %eq3A_52 : vector<32x16xf32>
    %jit3A_54 = arith.constant 1073741824 : i32
    %broadcast_in_dim3A_55 = vector.broadcast %jit3A_54 : i32 to vector<32x16xi32>
    %select_n3A_56 = arith.select %eq3A_53, %add3A, %broadcast_in_dim3A_55 : vector<32x16xi1>, vector<32x16xi32>
    %reduce_min3A_57 = vector.shape_cast %select_n3A_56 : vector<32x16xi32> to vector<1x32x16xi32>
    %reduce_min3A_58 = arith.constant dense<2147483647> : vector<1xi32>
    %reduce_min3A_59 = vector.multi_reduction <minsi>, %reduce_min3A_57, %reduce_min3A_58 [1, 2] : vector<1x32x16xi32> to vector<1xi32>
    %reduce_min3A_60 = vector.shape_cast %reduce_min3A_59 : vector<1xi32> to vector<1x1x1xi32>
    %reduce_min3A_61 = vector.extract %reduce_min3A_60[0, 0, 0] : i32 from vector<1x1x1xi32>
    %eq3A_62 = vector.broadcast %reduce_min3A_61 : i32 to vector<32x16xi32>
    %eq3A_63 = arith.cmpi eq, %add3A, %eq3A_62 : vector<32x16xi32>
    %jit3A_64 = arith.constant 0x7F800000 : f32
    %broadcast_in_dim3A_65 = vector.broadcast %jit3A_64 : f32 to vector<32x16xf32>
    %select_n3A_66 = arith.select %eq3A_63, %broadcast_in_dim3A_65, %select_n3A_44 : vector<32x16xi1>, vector<32x16xf32>
    %sqrt3A_67 = math.sqrt %reduce_min3A_51 : f32
    %add3A_68 = arith.addf %add3A_46, %sqrt3A_67 : f32
    %reduce_min3A_69 = vector.shape_cast %select_n3A_66 : vector<32x16xf32> to vector<1x32x16xf32>
    %reduce_min3A_70 = arith.constant dense<0x7F800000> : vector<1xf32>
    %reduce_min3A_71 = vector.multi_reduction <minimumf>, %reduce_min3A_69, %reduce_min3A_70 [1, 2] : vector<1x32x16xf32> to vector<1xf32>
    %reduce_min3A_72 = vector.shape_cast %reduce_min3A_71 : vector<1xf32> to vector<1x1x1xf32>
    %reduce_min3A_73 = vector.extract %reduce_min3A_72[0, 0, 0] : f32 from vector<1x1x1xf32>
    %eq3A_74 = vector.broadcast %reduce_min3A_73 : f32 to vector<32x16xf32>
    %eq3A_75 = arith.cmpf oeq, %select_n3A_66, %eq3A_74 : vector<32x16xf32>
    %jit3A_76 = arith.constant 1073741824 : i32
    %broadcast_in_dim3A_77 = vector.broadcast %jit3A_76 : i32 to vector<32x16xi32>
    %select_n3A_78 = arith.select %eq3A_75, %add3A, %broadcast_in_dim3A_77 : vector<32x16xi1>, vector<32x16xi32>
    %reduce_min3A_79 = vector.shape_cast %select_n3A_78 : vector<32x16xi32> to vector<1x32x16xi32>
    %reduce_min3A_80 = arith.constant dense<2147483647> : vector<1xi32>
    %reduce_min3A_81 = vector.multi_reduction <minsi>, %reduce_min3A_79, %reduce_min3A_80 [1, 2] : vector<1x32x16xi32> to vector<1xi32>
    %reduce_min3A_82 = vector.shape_cast %reduce_min3A_81 : vector<1xi32> to vector<1x1x1xi32>
    %reduce_min3A_83 = vector.extract %reduce_min3A_82[0, 0, 0] : i32 from vector<1x1x1xi32>
    %eq3A_84 = vector.broadcast %reduce_min3A_83 : i32 to vector<32x16xi32>
    %eq3A_85 = arith.cmpi eq, %add3A, %eq3A_84 : vector<32x16xi32>
    %jit3A_86 = arith.constant 0x7F800000 : f32
    %broadcast_in_dim3A_87 = vector.broadcast %jit3A_86 : f32 to vector<32x16xf32>
    %select_n3A_88 = arith.select %eq3A_85, %broadcast_in_dim3A_87, %select_n3A_66 : vector<32x16xi1>, vector<32x16xf32>
    %sqrt3A_89 = math.sqrt %reduce_min3A_73 : f32
    %add3A_90 = arith.addf %add3A_68, %sqrt3A_89 : f32
    %reduce_min3A_91 = vector.shape_cast %select_n3A_88 : vector<32x16xf32> to vector<1x32x16xf32>
    %reduce_min3A_92 = arith.constant dense<0x7F800000> : vector<1xf32>
    %reduce_min3A_93 = vector.multi_reduction <minimumf>, %reduce_min3A_91, %reduce_min3A_92 [1, 2] : vector<1x32x16xf32> to vector<1xf32>
    %reduce_min3A_94 = vector.shape_cast %reduce_min3A_93 : vector<1xf32> to vector<1x1x1xf32>
    %reduce_min3A_95 = vector.extract %reduce_min3A_94[0, 0, 0] : f32 from vector<1x1x1xf32>
    %eq3A_96 = vector.broadcast %reduce_min3A_95 : f32 to vector<32x16xf32>
    %eq3A_97 = arith.cmpf oeq, %select_n3A_88, %eq3A_96 : vector<32x16xf32>
    %jit3A_98 = arith.constant 1073741824 : i32
    %broadcast_in_dim3A_99 = vector.broadcast %jit3A_98 : i32 to vector<32x16xi32>
    %select_n3A_100 = arith.select %eq3A_97, %add3A, %broadcast_in_dim3A_99 : vector<32x16xi1>, vector<32x16xi32>
    %reduce_min3A_101 = vector.shape_cast %select_n3A_100 : vector<32x16xi32> to vector<1x32x16xi32>
    %reduce_min3A_102 = arith.constant dense<2147483647> : vector<1xi32>
    %reduce_min3A_103 = vector.multi_reduction <minsi>, %reduce_min3A_101, %reduce_min3A_102 [1, 2] : vector<1x32x16xi32> to vector<1xi32>
    %reduce_min3A_104 = vector.shape_cast %reduce_min3A_103 : vector<1xi32> to vector<1x1x1xi32>
    %reduce_min3A_105 = vector.extract %reduce_min3A_104[0, 0, 0] : i32 from vector<1x1x1xi32>
    %eq3A_106 = vector.broadcast %reduce_min3A_105 : i32 to vector<32x16xi32>
    %eq3A_107 = arith.cmpi eq, %add3A, %eq3A_106 : vector<32x16xi32>
    %jit3A_108 = arith.constant 0x7F800000 : f32
    %broadcast_in_dim3A_109 = vector.broadcast %jit3A_108 : f32 to vector<32x16xf32>
    %select_n3A_110 = arith.select %eq3A_107, %broadcast_in_dim3A_109, %select_n3A_88 : vector<32x16xi1>, vector<32x16xf32>
    %sqrt3A_111 = math.sqrt %reduce_min3A_95 : f32
    %add3A_112 = arith.addf %add3A_90, %sqrt3A_111 : f32
    %reduce_min3A_113 = vector.shape_cast %select_n3A_110 : vector<32x16xf32> to vector<1x32x16xf32>
    %reduce_min3A_114 = arith.constant dense<0x7F800000> : vector<1xf32>
    %reduce_min3A_115 = vector.multi_reduction <minimumf>, %reduce_min3A_113, %reduce_min3A_114 [1, 2] : vector<1x32x16xf32> to vector<1xf32>
    %reduce_min3A_116 = vector.shape_cast %reduce_min3A_115 : vector<1xf32> to vector<1x1x1xf32>
    %reduce_min3A_117 = vector.extract %reduce_min3A_116[0, 0, 0] : f32 from vector<1x1x1xf32>
    %eq3A_118 = vector.broadcast %reduce_min3A_117 : f32 to vector<32x16xf32>
    %eq3A_119 = arith.cmpf oeq, %select_n3A_110, %eq3A_118 : vector<32x16xf32>
    %jit3A_120 = arith.constant 1073741824 : i32
    %broadcast_in_dim3A_121 = vector.broadcast %jit3A_120 : i32 to vector<32x16xi32>
    %select_n3A_122 = arith.select %eq3A_119, %add3A, %broadcast_in_dim3A_121 : vector<32x16xi1>, vector<32x16xi32>
    %reduce_min3A_123 = vector.shape_cast %select_n3A_122 : vector<32x16xi32> to vector<1x32x16xi32>
    %reduce_min3A_124 = arith.constant dense<2147483647> : vector<1xi32>
    %reduce_min3A_125 = vector.multi_reduction <minsi>, %reduce_min3A_123, %reduce_min3A_124 [1, 2] : vector<1x32x16xi32> to vector<1xi32>
    %reduce_min3A_126 = vector.shape_cast %reduce_min3A_125 : vector<1xi32> to vector<1x1x1xi32>
    %reduce_min3A_127 = vector.extract %reduce_min3A_126[0, 0, 0] : i32 from vector<1x1x1xi32>
    %eq3A_128 = vector.broadcast %reduce_min3A_127 : i32 to vector<32x16xi32>
    %eq3A_129 = arith.cmpi eq, %add3A, %eq3A_128 : vector<32x16xi32>
    %jit3A_130 = arith.constant 0x7F800000 : f32
    %broadcast_in_dim3A_131 = vector.broadcast %jit3A_130 : f32 to vector<32x16xf32>
    %select_n3A_132 = arith.select %eq3A_129, %broadcast_in_dim3A_131, %select_n3A_110 : vector<32x16xi1>, vector<32x16xf32>
    %sqrt3A_133 = math.sqrt %reduce_min3A_117 : f32
    %add3A_134 = arith.addf %add3A_112, %sqrt3A_133 : f32
    %reduce_min3A_135 = vector.shape_cast %select_n3A_132 : vector<32x16xf32> to vector<1x32x16xf32>
    %reduce_min3A_136 = arith.constant dense<0x7F800000> : vector<1xf32>
    %reduce_min3A_137 = vector.multi_reduction <minimumf>, %reduce_min3A_135, %reduce_min3A_136 [1, 2] : vector<1x32x16xf32> to vector<1xf32>
    %reduce_min3A_138 = vector.shape_cast %reduce_min3A_137 : vector<1xf32> to vector<1x1x1xf32>
    %reduce_min3A_139 = vector.extract %reduce_min3A_138[0, 0, 0] : f32 from vector<1x1x1xf32>
    %eq3A_140 = vector.broadcast %reduce_min3A_139 : f32 to vector<32x16xf32>
    %eq3A_141 = arith.cmpf oeq, %select_n3A_132, %eq3A_140 : vector<32x16xf32>
    %jit3A_142 = arith.constant 1073741824 : i32
    %broadcast_in_dim3A_143 = vector.broadcast %jit3A_142 : i32 to vector<32x16xi32>
    %select_n3A_144 = arith.select %eq3A_141, %add3A, %broadcast_in_dim3A_143 : vector<32x16xi1>, vector<32x16xi32>
    %reduce_min3A_145 = vector.shape_cast %select_n3A_144 : vector<32x16xi32> to vector<1x32x16xi32>
    %reduce_min3A_146 = arith.constant dense<2147483647> : vector<1xi32>
    %reduce_min3A_147 = vector.multi_reduction <minsi>, %reduce_min3A_145, %reduce_min3A_146 [1, 2] : vector<1x32x16xi32> to vector<1xi32>
    %reduce_min3A_148 = vector.shape_cast %reduce_min3A_147 : vector<1xi32> to vector<1x1x1xi32>
    %reduce_min3A_149 = vector.extract %reduce_min3A_148[0, 0, 0] : i32 from vector<1x1x1xi32>
    %eq3A_150 = vector.broadcast %reduce_min3A_149 : i32 to vector<32x16xi32>
    %eq3A_151 = arith.cmpi eq, %add3A, %eq3A_150 : vector<32x16xi32>
    %jit3A_152 = arith.constant 0x7F800000 : f32
    %broadcast_in_dim3A_153 = vector.broadcast %jit3A_152 : f32 to vector<32x16xf32>
    %select_n3A_154 = arith.select %eq3A_151, %broadcast_in_dim3A_153, %select_n3A_132 : vector<32x16xi1>, vector<32x16xf32>
    %sqrt3A_155 = math.sqrt %reduce_min3A_139 : f32
    %add3A_156 = arith.addf %add3A_134, %sqrt3A_155 : f32
    %reduce_min3A_157 = vector.shape_cast %select_n3A_154 : vector<32x16xf32> to vector<1x32x16xf32>
    %reduce_min3A_158 = arith.constant dense<0x7F800000> : vector<1xf32>
    %reduce_min3A_159 = vector.multi_reduction <minimumf>, %reduce_min3A_157, %reduce_min3A_158 [1, 2] : vector<1x32x16xf32> to vector<1xf32>
    %reduce_min3A_160 = vector.shape_cast %reduce_min3A_159 : vector<1xf32> to vector<1x1x1xf32>
    %reduce_min3A_161 = vector.extract %reduce_min3A_160[0, 0, 0] : f32 from vector<1x1x1xf32>
    %eq3A_162 = vector.broadcast %reduce_min3A_161 : f32 to vector<32x16xf32>
    %eq3A_163 = arith.cmpf oeq, %select_n3A_154, %eq3A_162 : vector<32x16xf32>
    %jit3A_164 = arith.constant 1073741824 : i32
    %broadcast_in_dim3A_165 = vector.broadcast %jit3A_164 : i32 to vector<32x16xi32>
    %select_n3A_166 = arith.select %eq3A_163, %add3A, %broadcast_in_dim3A_165 : vector<32x16xi1>, vector<32x16xi32>
    %reduce_min3A_167 = vector.shape_cast %select_n3A_166 : vector<32x16xi32> to vector<1x32x16xi32>
    %reduce_min3A_168 = arith.constant dense<2147483647> : vector<1xi32>
    %reduce_min3A_169 = vector.multi_reduction <minsi>, %reduce_min3A_167, %reduce_min3A_168 [1, 2] : vector<1x32x16xi32> to vector<1xi32>
    %reduce_min3A_170 = vector.shape_cast %reduce_min3A_169 : vector<1xi32> to vector<1x1x1xi32>
    %reduce_min3A_171 = vector.extract %reduce_min3A_170[0, 0, 0] : i32 from vector<1x1x1xi32>
    %eq3A_172 = vector.broadcast %reduce_min3A_171 : i32 to vector<32x16xi32>
    %eq3A_173 = arith.cmpi eq, %add3A, %eq3A_172 : vector<32x16xi32>
    %jit3A_174 = arith.constant 0x7F800000 : f32
    %broadcast_in_dim3A_175 = vector.broadcast %jit3A_174 : f32 to vector<32x16xf32>
    %select_n3A_176 = arith.select %eq3A_173, %broadcast_in_dim3A_175, %select_n3A_154 : vector<32x16xi1>, vector<32x16xf32>
    %sqrt3A_177 = math.sqrt %reduce_min3A_161 : f32
    %add3A_178 = arith.addf %add3A_156, %sqrt3A_177 : f32
    %reduce_min3A_179 = vector.shape_cast %select_n3A_176 : vector<32x16xf32> to vector<1x32x16xf32>
    %reduce_min3A_180 = arith.constant dense<0x7F800000> : vector<1xf32>
    %reduce_min3A_181 = vector.multi_reduction <minimumf>, %reduce_min3A_179, %reduce_min3A_180 [1, 2] : vector<1x32x16xf32> to vector<1xf32>
    %reduce_min3A_182 = vector.shape_cast %reduce_min3A_181 : vector<1xf32> to vector<1x1x1xf32>
    %reduce_min3A_183 = vector.extract %reduce_min3A_182[0, 0, 0] : f32 from vector<1x1x1xf32>
    %eq3A_184 = vector.broadcast %reduce_min3A_183 : f32 to vector<32x16xf32>
    %eq3A_185 = arith.cmpf oeq, %select_n3A_176, %eq3A_184 : vector<32x16xf32>
    %jit3A_186 = arith.constant 1073741824 : i32
    %broadcast_in_dim3A_187 = vector.broadcast %jit3A_186 : i32 to vector<32x16xi32>
    %select_n3A_188 = arith.select %eq3A_185, %add3A, %broadcast_in_dim3A_187 : vector<32x16xi1>, vector<32x16xi32>
    %reduce_min3A_189 = vector.shape_cast %select_n3A_188 : vector<32x16xi32> to vector<1x32x16xi32>
    %reduce_min3A_190 = arith.constant dense<2147483647> : vector<1xi32>
    %reduce_min3A_191 = vector.multi_reduction <minsi>, %reduce_min3A_189, %reduce_min3A_190 [1, 2] : vector<1x32x16xi32> to vector<1xi32>
    %reduce_min3A_192 = vector.shape_cast %reduce_min3A_191 : vector<1xi32> to vector<1x1x1xi32>
    %reduce_min3A_193 = vector.extract %reduce_min3A_192[0, 0, 0] : i32 from vector<1x1x1xi32>
    %eq3A_194 = vector.broadcast %reduce_min3A_193 : i32 to vector<32x16xi32>
    %eq3A_195 = arith.cmpi eq, %add3A, %eq3A_194 : vector<32x16xi32>
    %jit3A_196 = arith.constant 0x7F800000 : f32
    %broadcast_in_dim3A_197 = vector.broadcast %jit3A_196 : f32 to vector<32x16xf32>
    %select_n3A_198 = arith.select %eq3A_195, %broadcast_in_dim3A_197, %select_n3A_176 : vector<32x16xi1>, vector<32x16xf32>
    %sqrt3A_199 = math.sqrt %reduce_min3A_183 : f32
    %add3A_200 = arith.addf %add3A_178, %sqrt3A_199 : f32
    %reduce_min3A_201 = vector.shape_cast %select_n3A_198 : vector<32x16xf32> to vector<1x32x16xf32>
    %reduce_min3A_202 = arith.constant dense<0x7F800000> : vector<1xf32>
    %reduce_min3A_203 = vector.multi_reduction <minimumf>, %reduce_min3A_201, %reduce_min3A_202 [1, 2] : vector<1x32x16xf32> to vector<1xf32>
    %reduce_min3A_204 = vector.shape_cast %reduce_min3A_203 : vector<1xf32> to vector<1x1x1xf32>
    %reduce_min3A_205 = vector.extract %reduce_min3A_204[0, 0, 0] : f32 from vector<1x1x1xf32>
    %sqrt3A_206 = math.sqrt %reduce_min3A_205 : f32
    %add3A_207 = arith.addf %add3A_200, %sqrt3A_206 : f32
    %div3A = arith.constant 1.000000e+01 : f32
    %div3A_208 = arith.divf %add3A_207, %div3A : f32
    %iota3A_209 = tpu.iota {dimensions = array<i32: 0>} : vector<32x16xi32>
    %mul3A_210 = arith.constant 16 : i32
    %mul3A_211 = vector.broadcast %mul3A_210 : i32 to vector<32x16xi32>
    %mul3A_212 = arith.muli %iota3A_209, %mul3A_211 : vector<32x16xi32>
    %iota3A_213 = tpu.iota {dimensions = array<i32: 1>} : vector<32x16xi32>
    %add3A_214 = arith.addi %mul3A_212, %iota3A_213 : vector<32x16xi32>
    %reduce_min3A_215 = vector.shape_cast %get3A_1 : vector<32x16xf32> to vector<1x32x16xf32>
    %reduce_min3A_216 = arith.constant dense<0x7F800000> : vector<1xf32>
    %reduce_min3A_217 = vector.multi_reduction <minimumf>, %reduce_min3A_215, %reduce_min3A_216 [1, 2] : vector<1x32x16xf32> to vector<1xf32>
    %reduce_min3A_218 = vector.shape_cast %reduce_min3A_217 : vector<1xf32> to vector<1x1x1xf32>
    %reduce_min3A_219 = vector.extract %reduce_min3A_218[0, 0, 0] : f32 from vector<1x1x1xf32>
    %eq3A_220 = vector.broadcast %reduce_min3A_219 : f32 to vector<32x16xf32>
    %eq3A_221 = arith.cmpf oeq, %get3A_1, %eq3A_220 : vector<32x16xf32>
    %jit3A_222 = arith.constant 1073741824 : i32
    %broadcast_in_dim3A_223 = vector.broadcast %jit3A_222 : i32 to vector<32x16xi32>
    %select_n3A_224 = arith.select %eq3A_221, %add3A_214, %broadcast_in_dim3A_223 : vector<32x16xi1>, vector<32x16xi32>
    %reduce_min3A_225 = vector.shape_cast %select_n3A_224 : vector<32x16xi32> to vector<1x32x16xi32>
    %reduce_min3A_226 = arith.constant dense<2147483647> : vector<1xi32>
    %reduce_min3A_227 = vector.multi_reduction <minsi>, %reduce_min3A_225, %reduce_min3A_226 [1, 2] : vector<1x32x16xi32> to vector<1xi32>
    %reduce_min3A_228 = vector.shape_cast %reduce_min3A_227 : vector<1xi32> to vector<1x1x1xi32>
    %reduce_min3A_229 = vector.extract %reduce_min3A_228[0, 0, 0] : i32 from vector<1x1x1xi32>
    %eq3A_230 = vector.broadcast %reduce_min3A_229 : i32 to vector<32x16xi32>
    %eq3A_231 = arith.cmpi eq, %add3A_214, %eq3A_230 : vector<32x16xi32>
    %jit3A_232 = arith.constant 0x7F800000 : f32
    %broadcast_in_dim3A_233 = vector.broadcast %jit3A_232 : f32 to vector<32x16xf32>
    %select_n3A_234 = arith.select %eq3A_231, %broadcast_in_dim3A_233, %get3A_1 : vector<32x16xi1>, vector<32x16xf32>
    %sqrt3A_235 = math.sqrt %reduce_min3A_219 : f32
    %add3A_236 = arith.constant 9.99999997E-7 : f32
    %add3A_237 = arith.addf %sqrt3A_235, %add3A_236 : f32
    %div3A_238 = arith.constant 1.000000e+00 : f32
    %div3A_239 = arith.divf %div3A_238, %add3A_237 : f32
    %add3A_240 = arith.constant 0.000000e+00 : f32
    %add3A_241 = arith.addf %add3A_240, %div3A_239 : f32
    %reduce_min3A_242 = vector.shape_cast %select_n3A_234 : vector<32x16xf32> to vector<1x32x16xf32>
    %reduce_min3A_243 = arith.constant dense<0x7F800000> : vector<1xf32>
    %reduce_min3A_244 = vector.multi_reduction <minimumf>, %reduce_min3A_242, %reduce_min3A_243 [1, 2] : vector<1x32x16xf32> to vector<1xf32>
    %reduce_min3A_245 = vector.shape_cast %reduce_min3A_244 : vector<1xf32> to vector<1x1x1xf32>
    %reduce_min3A_246 = vector.extract %reduce_min3A_245[0, 0, 0] : f32 from vector<1x1x1xf32>
    %eq3A_247 = vector.broadcast %reduce_min3A_246 : f32 to vector<32x16xf32>
    %eq3A_248 = arith.cmpf oeq, %select_n3A_234, %eq3A_247 : vector<32x16xf32>
    %jit3A_249 = arith.constant 1073741824 : i32
    %broadcast_in_dim3A_250 = vector.broadcast %jit3A_249 : i32 to vector<32x16xi32>
    %select_n3A_251 = arith.select %eq3A_248, %add3A_214, %broadcast_in_dim3A_250 : vector<32x16xi1>, vector<32x16xi32>
    %reduce_min3A_252 = vector.shape_cast %select_n3A_251 : vector<32x16xi32> to vector<1x32x16xi32>
    %reduce_min3A_253 = arith.constant dense<2147483647> : vector<1xi32>
    %reduce_min3A_254 = vector.multi_reduction <minsi>, %reduce_min3A_252, %reduce_min3A_253 [1, 2] : vector<1x32x16xi32> to vector<1xi32>
    %reduce_min3A_255 = vector.shape_cast %reduce_min3A_254 : vector<1xi32> to vector<1x1x1xi32>
    %reduce_min3A_256 = vector.extract %reduce_min3A_255[0, 0, 0] : i32 from vector<1x1x1xi32>
    %eq3A_257 = vector.broadcast %reduce_min3A_256 : i32 to vector<32x16xi32>
    %eq3A_258 = arith.cmpi eq, %add3A_214, %eq3A_257 : vector<32x16xi32>
    %jit3A_259 = arith.constant 0x7F800000 : f32
    %broadcast_in_dim3A_260 = vector.broadcast %jit3A_259 : f32 to vector<32x16xf32>
    %select_n3A_261 = arith.select %eq3A_258, %broadcast_in_dim3A_260, %select_n3A_234 : vector<32x16xi1>, vector<32x16xf32>
    %sqrt3A_262 = math.sqrt %reduce_min3A_246 : f32
    %add3A_263 = arith.constant 9.99999997E-7 : f32
    %add3A_264 = arith.addf %sqrt3A_262, %add3A_263 : f32
    %div3A_265 = arith.constant 1.000000e+00 : f32
    %div3A_266 = arith.divf %div3A_265, %add3A_264 : f32
    %add3A_267 = arith.addf %add3A_241, %div3A_266 : f32
    %reduce_min3A_268 = vector.shape_cast %select_n3A_261 : vector<32x16xf32> to vector<1x32x16xf32>
    %reduce_min3A_269 = arith.constant dense<0x7F800000> : vector<1xf32>
    %reduce_min3A_270 = vector.multi_reduction <minimumf>, %reduce_min3A_268, %reduce_min3A_269 [1, 2] : vector<1x32x16xf32> to vector<1xf32>
    %reduce_min3A_271 = vector.shape_cast %reduce_min3A_270 : vector<1xf32> to vector<1x1x1xf32>
    %reduce_min3A_272 = vector.extract %reduce_min3A_271[0, 0, 0] : f32 from vector<1x1x1xf32>
    %eq3A_273 = vector.broadcast %reduce_min3A_272 : f32 to vector<32x16xf32>
    %eq3A_274 = arith.cmpf oeq, %select_n3A_261, %eq3A_273 : vector<32x16xf32>
    %jit3A_275 = arith.constant 1073741824 : i32
    %broadcast_in_dim3A_276 = vector.broadcast %jit3A_275 : i32 to vector<32x16xi32>
    %select_n3A_277 = arith.select %eq3A_274, %add3A_214, %broadcast_in_dim3A_276 : vector<32x16xi1>, vector<32x16xi32>
    %reduce_min3A_278 = vector.shape_cast %select_n3A_277 : vector<32x16xi32> to vector<1x32x16xi32>
    %reduce_min3A_279 = arith.constant dense<2147483647> : vector<1xi32>
    %reduce_min3A_280 = vector.multi_reduction <minsi>, %reduce_min3A_278, %reduce_min3A_279 [1, 2] : vector<1x32x16xi32> to vector<1xi32>
    %reduce_min3A_281 = vector.shape_cast %reduce_min3A_280 : vector<1xi32> to vector<1x1x1xi32>
    %reduce_min3A_282 = vector.extract %reduce_min3A_281[0, 0, 0] : i32 from vector<1x1x1xi32>
    %eq3A_283 = vector.broadcast %reduce_min3A_282 : i32 to vector<32x16xi32>
    %eq3A_284 = arith.cmpi eq, %add3A_214, %eq3A_283 : vector<32x16xi32>
    %jit3A_285 = arith.constant 0x7F800000 : f32
    %broadcast_in_dim3A_286 = vector.broadcast %jit3A_285 : f32 to vector<32x16xf32>
    %select_n3A_287 = arith.select %eq3A_284, %broadcast_in_dim3A_286, %select_n3A_261 : vector<32x16xi1>, vector<32x16xf32>
    %sqrt3A_288 = math.sqrt %reduce_min3A_272 : f32
    %add3A_289 = arith.constant 9.99999997E-7 : f32
    %add3A_290 = arith.addf %sqrt3A_288, %add3A_289 : f32
    %div3A_291 = arith.constant 1.000000e+00 : f32
    %div3A_292 = arith.divf %div3A_291, %add3A_290 : f32
    %add3A_293 = arith.addf %add3A_267, %div3A_292 : f32
    %reduce_min3A_294 = vector.shape_cast %select_n3A_287 : vector<32x16xf32> to vector<1x32x16xf32>
    %reduce_min3A_295 = arith.constant dense<0x7F800000> : vector<1xf32>
    %reduce_min3A_296 = vector.multi_reduction <minimumf>, %reduce_min3A_294, %reduce_min3A_295 [1, 2] : vector<1x32x16xf32> to vector<1xf32>
    %reduce_min3A_297 = vector.shape_cast %reduce_min3A_296 : vector<1xf32> to vector<1x1x1xf32>
    %reduce_min3A_298 = vector.extract %reduce_min3A_297[0, 0, 0] : f32 from vector<1x1x1xf32>
    %eq3A_299 = vector.broadcast %reduce_min3A_298 : f32 to vector<32x16xf32>
    %eq3A_300 = arith.cmpf oeq, %select_n3A_287, %eq3A_299 : vector<32x16xf32>
    %jit3A_301 = arith.constant 1073741824 : i32
    %broadcast_in_dim3A_302 = vector.broadcast %jit3A_301 : i32 to vector<32x16xi32>
    %select_n3A_303 = arith.select %eq3A_300, %add3A_214, %broadcast_in_dim3A_302 : vector<32x16xi1>, vector<32x16xi32>
    %reduce_min3A_304 = vector.shape_cast %select_n3A_303 : vector<32x16xi32> to vector<1x32x16xi32>
    %reduce_min3A_305 = arith.constant dense<2147483647> : vector<1xi32>
    %reduce_min3A_306 = vector.multi_reduction <minsi>, %reduce_min3A_304, %reduce_min3A_305 [1, 2] : vector<1x32x16xi32> to vector<1xi32>
    %reduce_min3A_307 = vector.shape_cast %reduce_min3A_306 : vector<1xi32> to vector<1x1x1xi32>
    %reduce_min3A_308 = vector.extract %reduce_min3A_307[0, 0, 0] : i32 from vector<1x1x1xi32>
    %eq3A_309 = vector.broadcast %reduce_min3A_308 : i32 to vector<32x16xi32>
    %eq3A_310 = arith.cmpi eq, %add3A_214, %eq3A_309 : vector<32x16xi32>
    %jit3A_311 = arith.constant 0x7F800000 : f32
    %broadcast_in_dim3A_312 = vector.broadcast %jit3A_311 : f32 to vector<32x16xf32>
    %select_n3A_313 = arith.select %eq3A_310, %broadcast_in_dim3A_312, %select_n3A_287 : vector<32x16xi1>, vector<32x16xf32>
    %sqrt3A_314 = math.sqrt %reduce_min3A_298 : f32
    %add3A_315 = arith.constant 9.99999997E-7 : f32
    %add3A_316 = arith.addf %sqrt3A_314, %add3A_315 : f32
    %div3A_317 = arith.constant 1.000000e+00 : f32
    %div3A_318 = arith.divf %div3A_317, %add3A_316 : f32
    %add3A_319 = arith.addf %add3A_293, %div3A_318 : f32
    %reduce_min3A_320 = vector.shape_cast %select_n3A_313 : vector<32x16xf32> to vector<1x32x16xf32>
    %reduce_min3A_321 = arith.constant dense<0x7F800000> : vector<1xf32>
    %reduce_min3A_322 = vector.multi_reduction <minimumf>, %reduce_min3A_320, %reduce_min3A_321 [1, 2] : vector<1x32x16xf32> to vector<1xf32>
    %reduce_min3A_323 = vector.shape_cast %reduce_min3A_322 : vector<1xf32> to vector<1x1x1xf32>
    %reduce_min3A_324 = vector.extract %reduce_min3A_323[0, 0, 0] : f32 from vector<1x1x1xf32>
    %eq3A_325 = vector.broadcast %reduce_min3A_324 : f32 to vector<32x16xf32>
    %eq3A_326 = arith.cmpf oeq, %select_n3A_313, %eq3A_325 : vector<32x16xf32>
    %jit3A_327 = arith.constant 1073741824 : i32
    %broadcast_in_dim3A_328 = vector.broadcast %jit3A_327 : i32 to vector<32x16xi32>
    %select_n3A_329 = arith.select %eq3A_326, %add3A_214, %broadcast_in_dim3A_328 : vector<32x16xi1>, vector<32x16xi32>
    %reduce_min3A_330 = vector.shape_cast %select_n3A_329 : vector<32x16xi32> to vector<1x32x16xi32>
    %reduce_min3A_331 = arith.constant dense<2147483647> : vector<1xi32>
    %reduce_min3A_332 = vector.multi_reduction <minsi>, %reduce_min3A_330, %reduce_min3A_331 [1, 2] : vector<1x32x16xi32> to vector<1xi32>
    %reduce_min3A_333 = vector.shape_cast %reduce_min3A_332 : vector<1xi32> to vector<1x1x1xi32>
    %reduce_min3A_334 = vector.extract %reduce_min3A_333[0, 0, 0] : i32 from vector<1x1x1xi32>
    %eq3A_335 = vector.broadcast %reduce_min3A_334 : i32 to vector<32x16xi32>
    %eq3A_336 = arith.cmpi eq, %add3A_214, %eq3A_335 : vector<32x16xi32>
    %jit3A_337 = arith.constant 0x7F800000 : f32
    %broadcast_in_dim3A_338 = vector.broadcast %jit3A_337 : f32 to vector<32x16xf32>
    %select_n3A_339 = arith.select %eq3A_336, %broadcast_in_dim3A_338, %select_n3A_313 : vector<32x16xi1>, vector<32x16xf32>
    %sqrt3A_340 = math.sqrt %reduce_min3A_324 : f32
    %add3A_341 = arith.constant 9.99999997E-7 : f32
    %add3A_342 = arith.addf %sqrt3A_340, %add3A_341 : f32
    %div3A_343 = arith.constant 1.000000e+00 : f32
    %div3A_344 = arith.divf %div3A_343, %add3A_342 : f32
    %add3A_345 = arith.addf %add3A_319, %div3A_344 : f32
    %reduce_min3A_346 = vector.shape_cast %select_n3A_339 : vector<32x16xf32> to vector<1x32x16xf32>
    %reduce_min3A_347 = arith.constant dense<0x7F800000> : vector<1xf32>
    %reduce_min3A_348 = vector.multi_reduction <minimumf>, %reduce_min3A_346, %reduce_min3A_347 [1, 2] : vector<1x32x16xf32> to vector<1xf32>
    %reduce_min3A_349 = vector.shape_cast %reduce_min3A_348 : vector<1xf32> to vector<1x1x1xf32>
    %reduce_min3A_350 = vector.extract %reduce_min3A_349[0, 0, 0] : f32 from vector<1x1x1xf32>
    %eq3A_351 = vector.broadcast %reduce_min3A_350 : f32 to vector<32x16xf32>
    %eq3A_352 = arith.cmpf oeq, %select_n3A_339, %eq3A_351 : vector<32x16xf32>
    %jit3A_353 = arith.constant 1073741824 : i32
    %broadcast_in_dim3A_354 = vector.broadcast %jit3A_353 : i32 to vector<32x16xi32>
    %select_n3A_355 = arith.select %eq3A_352, %add3A_214, %broadcast_in_dim3A_354 : vector<32x16xi1>, vector<32x16xi32>
    %reduce_min3A_356 = vector.shape_cast %select_n3A_355 : vector<32x16xi32> to vector<1x32x16xi32>
    %reduce_min3A_357 = arith.constant dense<2147483647> : vector<1xi32>
    %reduce_min3A_358 = vector.multi_reduction <minsi>, %reduce_min3A_356, %reduce_min3A_357 [1, 2] : vector<1x32x16xi32> to vector<1xi32>
    %reduce_min3A_359 = vector.shape_cast %reduce_min3A_358 : vector<1xi32> to vector<1x1x1xi32>
    %reduce_min3A_360 = vector.extract %reduce_min3A_359[0, 0, 0] : i32 from vector<1x1x1xi32>
    %eq3A_361 = vector.broadcast %reduce_min3A_360 : i32 to vector<32x16xi32>
    %eq3A_362 = arith.cmpi eq, %add3A_214, %eq3A_361 : vector<32x16xi32>
    %jit3A_363 = arith.constant 0x7F800000 : f32
    %broadcast_in_dim3A_364 = vector.broadcast %jit3A_363 : f32 to vector<32x16xf32>
    %select_n3A_365 = arith.select %eq3A_362, %broadcast_in_dim3A_364, %select_n3A_339 : vector<32x16xi1>, vector<32x16xf32>
    %sqrt3A_366 = math.sqrt %reduce_min3A_350 : f32
    %add3A_367 = arith.constant 9.99999997E-7 : f32
    %add3A_368 = arith.addf %sqrt3A_366, %add3A_367 : f32
    %div3A_369 = arith.constant 1.000000e+00 : f32
    %div3A_370 = arith.divf %div3A_369, %add3A_368 : f32
    %add3A_371 = arith.addf %add3A_345, %div3A_370 : f32
    %reduce_min3A_372 = vector.shape_cast %select_n3A_365 : vector<32x16xf32> to vector<1x32x16xf32>
    %reduce_min3A_373 = arith.constant dense<0x7F800000> : vector<1xf32>
    %reduce_min3A_374 = vector.multi_reduction <minimumf>, %reduce_min3A_372, %reduce_min3A_373 [1, 2] : vector<1x32x16xf32> to vector<1xf32>
    %reduce_min3A_375 = vector.shape_cast %reduce_min3A_374 : vector<1xf32> to vector<1x1x1xf32>
    %reduce_min3A_376 = vector.extract %reduce_min3A_375[0, 0, 0] : f32 from vector<1x1x1xf32>
    %eq3A_377 = vector.broadcast %reduce_min3A_376 : f32 to vector<32x16xf32>
    %eq3A_378 = arith.cmpf oeq, %select_n3A_365, %eq3A_377 : vector<32x16xf32>
    %jit3A_379 = arith.constant 1073741824 : i32
    %broadcast_in_dim3A_380 = vector.broadcast %jit3A_379 : i32 to vector<32x16xi32>
    %select_n3A_381 = arith.select %eq3A_378, %add3A_214, %broadcast_in_dim3A_380 : vector<32x16xi1>, vector<32x16xi32>
    %reduce_min3A_382 = vector.shape_cast %select_n3A_381 : vector<32x16xi32> to vector<1x32x16xi32>
    %reduce_min3A_383 = arith.constant dense<2147483647> : vector<1xi32>
    %reduce_min3A_384 = vector.multi_reduction <minsi>, %reduce_min3A_382, %reduce_min3A_383 [1, 2] : vector<1x32x16xi32> to vector<1xi32>
    %reduce_min3A_385 = vector.shape_cast %reduce_min3A_384 : vector<1xi32> to vector<1x1x1xi32>
    %reduce_min3A_386 = vector.extract %reduce_min3A_385[0, 0, 0] : i32 from vector<1x1x1xi32>
    %eq3A_387 = vector.broadcast %reduce_min3A_386 : i32 to vector<32x16xi32>
    %eq3A_388 = arith.cmpi eq, %add3A_214, %eq3A_387 : vector<32x16xi32>
    %jit3A_389 = arith.constant 0x7F800000 : f32
    %broadcast_in_dim3A_390 = vector.broadcast %jit3A_389 : f32 to vector<32x16xf32>
    %select_n3A_391 = arith.select %eq3A_388, %broadcast_in_dim3A_390, %select_n3A_365 : vector<32x16xi1>, vector<32x16xf32>
    %sqrt3A_392 = math.sqrt %reduce_min3A_376 : f32
    %add3A_393 = arith.constant 9.99999997E-7 : f32
    %add3A_394 = arith.addf %sqrt3A_392, %add3A_393 : f32
    %div3A_395 = arith.constant 1.000000e+00 : f32
    %div3A_396 = arith.divf %div3A_395, %add3A_394 : f32
    %add3A_397 = arith.addf %add3A_371, %div3A_396 : f32
    %reduce_min3A_398 = vector.shape_cast %select_n3A_391 : vector<32x16xf32> to vector<1x32x16xf32>
    %reduce_min3A_399 = arith.constant dense<0x7F800000> : vector<1xf32>
    %reduce_min3A_400 = vector.multi_reduction <minimumf>, %reduce_min3A_398, %reduce_min3A_399 [1, 2] : vector<1x32x16xf32> to vector<1xf32>
    %reduce_min3A_401 = vector.shape_cast %reduce_min3A_400 : vector<1xf32> to vector<1x1x1xf32>
    %reduce_min3A_402 = vector.extract %reduce_min3A_401[0, 0, 0] : f32 from vector<1x1x1xf32>
    %eq3A_403 = vector.broadcast %reduce_min3A_402 : f32 to vector<32x16xf32>
    %eq3A_404 = arith.cmpf oeq, %select_n3A_391, %eq3A_403 : vector<32x16xf32>
    %jit3A_405 = arith.constant 1073741824 : i32
    %broadcast_in_dim3A_406 = vector.broadcast %jit3A_405 : i32 to vector<32x16xi32>
    %select_n3A_407 = arith.select %eq3A_404, %add3A_214, %broadcast_in_dim3A_406 : vector<32x16xi1>, vector<32x16xi32>
    %reduce_min3A_408 = vector.shape_cast %select_n3A_407 : vector<32x16xi32> to vector<1x32x16xi32>
    %reduce_min3A_409 = arith.constant dense<2147483647> : vector<1xi32>
    %reduce_min3A_410 = vector.multi_reduction <minsi>, %reduce_min3A_408, %reduce_min3A_409 [1, 2] : vector<1x32x16xi32> to vector<1xi32>
    %reduce_min3A_411 = vector.shape_cast %reduce_min3A_410 : vector<1xi32> to vector<1x1x1xi32>
    %reduce_min3A_412 = vector.extract %reduce_min3A_411[0, 0, 0] : i32 from vector<1x1x1xi32>
    %eq3A_413 = vector.broadcast %reduce_min3A_412 : i32 to vector<32x16xi32>
    %eq3A_414 = arith.cmpi eq, %add3A_214, %eq3A_413 : vector<32x16xi32>
    %jit3A_415 = arith.constant 0x7F800000 : f32
    %broadcast_in_dim3A_416 = vector.broadcast %jit3A_415 : f32 to vector<32x16xf32>
    %select_n3A_417 = arith.select %eq3A_414, %broadcast_in_dim3A_416, %select_n3A_391 : vector<32x16xi1>, vector<32x16xf32>
    %sqrt3A_418 = math.sqrt %reduce_min3A_402 : f32
    %add3A_419 = arith.constant 9.99999997E-7 : f32
    %add3A_420 = arith.addf %sqrt3A_418, %add3A_419 : f32
    %div3A_421 = arith.constant 1.000000e+00 : f32
    %div3A_422 = arith.divf %div3A_421, %add3A_420 : f32
    %add3A_423 = arith.addf %add3A_397, %div3A_422 : f32
    %reduce_min3A_424 = vector.shape_cast %select_n3A_417 : vector<32x16xf32> to vector<1x32x16xf32>
    %reduce_min3A_425 = arith.constant dense<0x7F800000> : vector<1xf32>
    %reduce_min3A_426 = vector.multi_reduction <minimumf>, %reduce_min3A_424, %reduce_min3A_425 [1, 2] : vector<1x32x16xf32> to vector<1xf32>
    %reduce_min3A_427 = vector.shape_cast %reduce_min3A_426 : vector<1xf32> to vector<1x1x1xf32>
    %reduce_min3A_428 = vector.extract %reduce_min3A_427[0, 0, 0] : f32 from vector<1x1x1xf32>
    %eq3A_429 = vector.broadcast %reduce_min3A_428 : f32 to vector<32x16xf32>
    %eq3A_430 = arith.cmpf oeq, %select_n3A_417, %eq3A_429 : vector<32x16xf32>
    %jit3A_431 = arith.constant 1073741824 : i32
    %broadcast_in_dim3A_432 = vector.broadcast %jit3A_431 : i32 to vector<32x16xi32>
    %select_n3A_433 = arith.select %eq3A_430, %add3A_214, %broadcast_in_dim3A_432 : vector<32x16xi1>, vector<32x16xi32>
    %reduce_min3A_434 = vector.shape_cast %select_n3A_433 : vector<32x16xi32> to vector<1x32x16xi32>
    %reduce_min3A_435 = arith.constant dense<2147483647> : vector<1xi32>
    %reduce_min3A_436 = vector.multi_reduction <minsi>, %reduce_min3A_434, %reduce_min3A_435 [1, 2] : vector<1x32x16xi32> to vector<1xi32>
    %reduce_min3A_437 = vector.shape_cast %reduce_min3A_436 : vector<1xi32> to vector<1x1x1xi32>
    %reduce_min3A_438 = vector.extract %reduce_min3A_437[0, 0, 0] : i32 from vector<1x1x1xi32>
    %eq3A_439 = vector.broadcast %reduce_min3A_438 : i32 to vector<32x16xi32>
    %eq3A_440 = arith.cmpi eq, %add3A_214, %eq3A_439 : vector<32x16xi32>
    %jit3A_441 = arith.constant 0x7F800000 : f32
    %broadcast_in_dim3A_442 = vector.broadcast %jit3A_441 : f32 to vector<32x16xf32>
    %select_n3A_443 = arith.select %eq3A_440, %broadcast_in_dim3A_442, %select_n3A_417 : vector<32x16xi1>, vector<32x16xf32>
    %sqrt3A_444 = math.sqrt %reduce_min3A_428 : f32
    %add3A_445 = arith.constant 9.99999997E-7 : f32
    %add3A_446 = arith.addf %sqrt3A_444, %add3A_445 : f32
    %div3A_447 = arith.constant 1.000000e+00 : f32
    %div3A_448 = arith.divf %div3A_447, %add3A_446 : f32
    %add3A_449 = arith.addf %add3A_423, %div3A_448 : f32
    %reduce_min3A_450 = vector.shape_cast %select_n3A_443 : vector<32x16xf32> to vector<1x32x16xf32>
    %reduce_min3A_451 = arith.constant dense<0x7F800000> : vector<1xf32>
    %reduce_min3A_452 = vector.multi_reduction <minimumf>, %reduce_min3A_450, %reduce_min3A_451 [1, 2] : vector<1x32x16xf32> to vector<1xf32>
    %reduce_min3A_453 = vector.shape_cast %reduce_min3A_452 : vector<1xf32> to vector<1x1x1xf32>
    %reduce_min3A_454 = vector.extract %reduce_min3A_453[0, 0, 0] : f32 from vector<1x1x1xf32>
    %sqrt3A_455 = math.sqrt %reduce_min3A_454 : f32
    %add3A_456 = arith.constant 9.99999997E-7 : f32
    %add3A_457 = arith.addf %sqrt3A_455, %add3A_456 : f32
    %div3A_458 = arith.constant 1.000000e+00 : f32
    %div3A_459 = arith.divf %div3A_458, %add3A_457 : f32
    %add3A_460 = arith.addf %add3A_449, %div3A_459 : f32
    %div3A_461 = arith.constant 1.000000e+01 : f32
    %div3A_462 = arith.divf %add3A_460, %div3A_461 : f32
    %mul3A_463 = arith.mulf %div3A_208, %div3A_462 : f32
    %broadcast_in_dim3A_464 = vector.broadcast %mul3A_463 : f32 to vector<8x128xf32>
    %swap3A = arith.constant 0 : index
    %swap3A_465 = arith.constant 0 : index
    %swap3A_466 = vector.load %arg2[%swap3A, %swap3A_465] : memref<8x128xf32, #tpu.memory_space<vmem>>, vector<8x128xf32>
    tpu.vector_store %arg2[%swap3A, %swap3A_465], %broadcast_in_dim3A_464 {strides = array<i32>} : memref<8x128xf32, #tpu.memory_space<vmem>>, vector<8x128xf32>,
    return
  }
}

</mosaic_0001>

<sc_bundles>
// kernel: kernel.5.cloned.1.call-start
scs
__scs_entry_jumppad:
0x0: {  	(pc) =	sbr.rel $0x88, $3  }
0x1: {  	(tag) =	ssettag $0x0;
	lr =	simm.s32 $0x1  }
0x2: {  	[smem:$0x3F9E] =	sst lr;
	_ =	strace $0xD0000000  }
0x3: {  	_ = 	snop  }
0x4: {  	_ = 	snop  }
0x5: {  	_ = 	snop  }
0x6: {  	_ = 	snop  }
0x7: {  	_ = 	snop  }
__scs_overlays_trampoline_lowered:
0x8: {  	[smem:$0x3FAD] =	sst s0  }
0x9: {  	[smem:$0x3FAE] =	sst s1  }
0xa: {  	[smem:$0x3FAF] =	sst s2  }
0xb: {  	[smem:$0x3FB0] =	sst s3  }
0xc: {  	[smem:$0x3FB1] =	sst s4  }
0xd: {  	[smem:$0x3FB2] =	sst s5  }
0xe: {  	[smem:$0x3FB3] =	sst s6  }
0xf: {  	[smem:$0x3FB4] =	sst s7  }
0x10: {  	[smem:$0x3FB5] =	sst s8  }
0x11: {  	[smem:$0x3FB6] =	sst s9;
	s0 =	simm.s32 @!p0 $0x0  }
0x12: {  	s1 =	sld [smem:$0x3F9C];
	s0 =	simm.s32 @p0 $0x1  }
0x13: {  	[smem:$0x3FB7] =	sst s0;
	s0 =	simm.s32 @!p1 $0x0  }
0x14: {  	s2 =	sld [smem:$0x3F9B];
	s0 =	simm.s32 @p1 $0x1  }
0x15: {  	[smem:$0x3FB8] =	sst s0;
	s0 =	simm.s32 @!p2 $0x0  }
0x16: {  	s3 =	sld [smem:$0x3FDB];
	s0 =	simm.s32 @p2 $0x1  }
0x17: {  	s4 =	simm.s32 $0x1BF5;
	[smem:$0x3FBA] =	sst s0  }
0x18: {  	s0 =	sld [smem:$0x3F9D];
	_ =	swait.ge [sflag:s4], $0x0  }
0x19: {  	s7 =	sld [smem:$0x3F9E]  }
0x1a: {  	s8 =	sadd.s32 $0xFFFFE003, lr  }
0x1b: {  	s9 =	sadd.s32 $0xFFFFFEF7, lr;
	s5 =	simm.s32 $0xFFFFFFFF;
	p2 =	slt.u32 s8, $0xFFFFF086  }
0x1c: {  	p1 =	slt.u32 s9, $0xF7A;
	s5 =	simm.s32 @!p2 $0x0  }
0x1d: {  	s5 =	simm.s32 @p1 $0x1;
	p0 =	seq.s32 s7, s2  }
0x1e: {  	s7 =	smul.u32 @!p0 $0xF7A, s2;
	p2 =	seq.s32 @!p0 s5, $0x0  }
0x1f: {  	s9 =	smul.u32 $0xF7A, s1;
	s8 =	simm.s32 @!p0 $0x1BF5;
	p2 =	por !p2, p0  }
0x20: {  	[sflag:s8] =	ssyncset.s32 @!p0 $0xFFFFF086;
	s6 =	sadd.s32 @!p0 s3, s7;
	s7 =	simm.s32 @!p0 $0x108  }
0x21: {  	s3 =	sadd.s32 s3, s9;
	s6 =	sadd.s32 @!p0 $0x88, s6;
	s7 =	simm.s32 @p2 $0x1082  }
0x22: {  	[simem:s7], [sflag:s8] =	dma.local @!p0 [hbm:s6], $0xF7A  }
0x23: {  	s9 =	sor.u32 $0xD0000000, s2;
	s6 =	simm.s32 $0x108;
	_ =	swait.ge @!p0 [sflag:s8], $0x0  }
0x24: {  	s3 =	sadd.s32 $0x88, s3;
	s6 =	simm.s32 @!p1 $0x1082;
	[sflag:s4] =	ssyncset.s32 $0xFFFFF086  }
0x25: {  	[simem:s6], [sflag:s4] =	dma.local [hbm:s3], $0xF7A  }
0x26: {  	[smem:$0x3F9E] =	sst s1;
	(tag) =	ssettag s2;
	_ =	strace s9  }
0x27: {  	s1 =	sld [smem:$0x3FAE]  }
0x28: {  	s2 =	sld [smem:$0x3FAF]  }
0x29: {  	s4 =	sld [smem:$0x3FB1]  }
0x2a: {  	p0 =	seq.s32 s5, $0x0;
	s5 =	sld [smem:$0x3FB2]  }
0x2b: {  	s6 =	sld [smem:$0x3FB3]  }
0x2c: {  	s7 =	sld [smem:$0x3FB4]  }
0x2d: {  	s3 =	simm.s32 $0x108;
	s8 =	sld [smem:$0x3FB5]  }
0x2e: {  	s3 =	simm.s32 @!p0 $0x1082;
	s9 =	sld [smem:$0x3FB6]  }
0x2f: {  	lr =	sadd.s32 s0, s3;
	s0 =	sld [smem:$0x3FAD]  }
0x30: {  	s3 =	sld [smem:$0x3FB0]  }
0x31: {  	[smem:$0x3FB9] =	sst s10  }
0x32: {  	s10 =	sld [smem:$0x3FB7];
	_ =	sdelay $0x3  }
0x33: {  	p0 =	seq.s32 s10, $0x1;
	s10 =	sld [smem:$0x3FB9];
	_ =	sdelay $0x3  }
0x34: {  	[smem:$0x3FB9] =	sst s10  }
0x35: {  	s10 =	sld [smem:$0x3FB8];
	_ =	sdelay $0x3  }
0x36: {  	p1 =	seq.s32 s10, $0x1;
	s10 =	sld [smem:$0x3FB9];
	_ =	sdelay $0x3  }
0x37: {  	[smem:$0x3FB9] =	sst s10  }
0x38: {  	s10 =	sld [smem:$0x3FBA]  }
0x39: {  	_ = 	snop;
	(pc) =	sbr.ind lr, $3  }
0x3a: {  	_ = 	snop  }
0x3b: {  	_ = 	snop  }
0x3c: {  	p2 =	seq.s32 s10, $0x1;
	s10 =	sld [smem:$0x3FB9]  }
0x3d: {  	_ =	shalt  }
0x3e: {  	_ =	shalt  }
0x3f: {  	_ =	shalt  }
0x40: {  	_ =	shalt  }
0x41: {  	_ =	shalt  }
0x42: {  	_ =	shalt  }
0x43: {  	_ =	shalt  }
0x44: {  	_ =	shalt  }
0x45: {  	_ =	shalt  }
0x46: {  	_ =	shalt  }
0x47: {  	_ =	shalt  }
0x48: {  	_ =	shalt  }
0x49: {  	_ =	shalt  }
0x4a: {  	_ =	shalt  }
0x4b: {  	_ =	shalt  }
0x4c: {  	_ =	shalt  }
0x4d: {  	_ =	shalt  }
0x4e: {  	_ =	shalt  }
0x4f: {  	_ =	shalt  }
0x50: {  	_ =	shalt  }
0x51: {  	_ =	shalt  }
0x52: {  	_ =	shalt  }
0x53: {  	_ =	shalt  }
0x54: {  	_ =	shalt  }
0x55: {  	_ =	shalt  }
0x56: {  	_ =	shalt  }
0x57: {  	_ =	shalt  }
0x58: {  	_ =	shalt  }
0x59: {  	_ =	shalt  }
0x5a: {  	_ =	shalt  }
0x5b: {  	_ =	shalt  }
0x5c: {  	_ =	shalt  }
0x5d: {  	_ =	shalt  }
0x5e: {  	_ =	shalt  }
0x5f: {  	_ =	shalt  }
0x60: {  	_ =	shalt  }
0x61: {  	_ =	shalt  }
0x62: {  	_ =	shalt  }
0x63: {  	_ =	shalt  }
0x64: {  	_ =	shalt  }
0x65: {  	_ =	shalt  }
0x66: {  	_ =	shalt  }
0x67: {  	_ =	shalt  }
0x68: {  	_ =	shalt  }
0x69: {  	_ =	shalt  }
0x6a: {  	_ =	shalt  }
0x6b: {  	_ =	shalt  }
0x6c: {  	_ =	shalt  }
0x6d: {  	_ =	shalt  }
0x6e: {  	_ =	shalt  }
0x6f: {  	_ =	shalt  }
0x70: {  	_ =	shalt  }
0x71: {  	_ =	shalt  }
0x72: {  	_ =	shalt  }
0x73: {  	_ =	shalt  }
0x74: {  	_ =	shalt  }
0x75: {  	_ =	shalt  }
0x76: {  	_ =	shalt  }
0x77: {  	_ =	shalt  }
0x78: {  	_ =	shalt  }
0x79: {  	_ =	shalt  }
0x7a: {  	_ =	shalt  }
0x7b: {  	_ =	shalt  }
0x7c: {  	_ =	shalt  }
0x7d: {  	_ =	shalt  }
0x7e: {  	_ =	shalt  }
0x7f: {  	_ =	shalt  }
0x80: {  	_ =	shalt  }
0x81: {  	_ =	shalt  }
0x82: {  	_ =	shalt  }
0x83: {  	_ =	shalt  }
0x84: {  	_ =	shalt  }
0x85: {  	_ =	shalt  }
0x86: {  	_ =	shalt  }
0x87: {  	_ =	shalt  }
.Lfunc_end0:
.L_simem_size_0:
called_computation_lowered:
.L_overlay_start_0:
0x88: {  	s2 =	sld [smem:$0x3FD9]  }
0x89: {  	s3 =	sld [smem:$0x3FFE];
	_ =	sdelay $0x1  }
0x8a: {  	s1 =	srdreg.scid  }
0x8b: {  	s0 =	sand.u32 $0x1, s1  }
0x8c: {  	s17 =	sshll.u32 s0, $0xA;
	s2 =	sadd.s32 s3, s2  }
0x8d: {  	s2 =	sadd.s32 s2, s17  }
0x8e: {  	[smem:$0x3FC5] =	sst s2  }
0x8f: {  	_ = 	snop  }
0x90: {  	s2 =	sld [smem:$0x3FC9];
	(tm) =	ssettm $0x1  }
0x91: {  	s18 =	sld [smem:$0x3FFB];
	_ =	sdelay $0x3  }
0x92: {  	_ =	strace s18  }
0x93: {  	s3 =	sld [smem:$0x3FFC];
	_ =	sdelay $0x3  }
0x94: {  	_ =	strace s3  }
0x95: {  	s3 =	sld [smem:$0x3FFD];
	_ =	sdelay $0x3  }
0x96: {  	_ =	strace s3  }
0x97: {  	_ =	strace $0x8FFFFFFF  }
0x98: {  	s19 =	sld [smem:$0x3FDB];
	_ =	sdelay $0x1  }
0x99: {  	s4 =	simm.s32 $_scs_section_size  }
0x9a: {  	s5 =	simm.s32 $_size__tile_overlayer_lowered;
	s6 =	simm.s32 $_tile_overlayer_lowered  }
0x9b: {  	s22 =	simm.s32 $0x1BFF;
	s21 =	sshll.u32 s6, $0x1;
	s3 =	sadd.s32 s4, s19  }
0x9c: {  	s7 =	simm.s32 $0x0;
	s20 =	sshll.u32 s5, $0x1;
	s5 =	sadd.s32 s21, s3  }
0x9d: {  	[timem:s7], [sflag:s22] =	dma.local [hbm:s5], s20  }
0x9e: {  	_ =	swait.ge [sflag:s22], s20  }
0x9f: {  	s4 =	ssub.s32 $0x0, s20;
	[sflag:s22] =	ssyncset.done $0x0  }
0xa0: {  	[sflag:s22] =	ssyncadd.s32 s4;
	_ =	sdelay $0x1  }
0xa1: {  	s23 =	simm.s32 $0x1B8B  }
0xa2: {  	_ =	swait.ge [sflag:s23], $0x1  }
0xa3: {  	[sflag:s23] =	ssyncset.done $0x0  }
0xa4: {  	s25 =	simm.s32 $0x1B8E;
	s24 =	sld [smem:$0x3FFE];
	[sflag:s23] =	ssyncadd.s32 $0xFFFFFFFF  }
0xa5: {  	s26 =	simm.s32 $execute0_lowered;
	[smem:$0x3FD2] =	sst s25  }
0xa6: {  	s5 =	sshll.u32 s26, $0x1;
	_ =	strace $0x80000046;
	[dreg:$0x1] =	wrdreg $0xFFFFFFFF  }
0xa7: {  	s28 =	simm.s32 $_size_execute0_lowered;
	s3 =	sadd.s32 s3, s5;
	[dreg:$0x0] =	wrdreg $0x0  }
0xa8: {  	s5 =	sshll.u32 s28, $0x1;
	[dreg:$0x2] =	wrdreg s3  }
0xa9: {  	[dreg:$0x3] =	wrdreg s5  }
0xaa: {  	[dreg:$0x4] =	wrdreg $0xC0  }
0xab: {  	_ =	task [dreg:s7], $0x5FFFF  }
0xac: {  	[dreg:$0x1] =	wrdreg $0xFFFFFFFF  }
0xad: {  	[dreg:$0x0] =	wrdreg $0x60  }
0xae: {  	[dreg:$0x2] =	wrdreg s24  }
0xaf: {  	[dreg:$0x3] =	wrdreg s2  }
0xb0: {  	[dreg:$0x4] =	wrdreg $0x9  }
0xb1: {  	_ =	task.clear_ibuf [dreg:s7], $0x5FFFF;
	_ =	strace $0x90000046  }
0xb2: {  	s29 =	simm.s32 $0x9;
	_ =	strace $0x80000048  }
0xb3: {  	_ =	swait.ge [sflag:s29], $0x1  }
0xb4: {  	[sflag:s29] =	ssyncadd.s32 $0xFFFFFFFF  }
0xb5: {  	_ =	strace $0x90000048  }
0xb6: {  	_ =	sfence  }
0xb7: {  	s30 =	sld [smem:$0x0];
	_ =	sdelay $0x2  }
0xb8: {  	s31 =	sshll.u32 s1, $0xD;
	s1 =	sshrl.u32 s1, $0x2  }
0xb9: {  	s3 =	sand.u32 $0x4000, s31;
	s1 =	sadd.s32 s1, s30  }
0xba: {  	s0 =	sor.u32 s3, s0;
	s1 =	sshll.u32 s1, $0x11  }
0xbb: {  	s0 =	sor.u32 s1, s0  }
0xbc: {  	s0 =	sadd.s32 $0x8F2B, s0  }
0xbd: {  	[sflag:s0] =	ssyncadd.remote.s32 $0x1  }
0xbe: {  	_ =	sfence.sel $0xFFFF  }
0xbf: {  	[dreg:$0x0] =	wrdreg $0xFFFFFFFF;
	(pc) =	sbr.abs _section_cstart, $3  }
0xc0: {  	[dreg:$0x1] =	wrdreg $0xFFFFFFFF  }
0xc1: {  	_ =	task.clear_ibuf [dreg:s7], $0x2FFFF;
	_ =	strace $0x9FFFFFFF  }
0xc2: {  	(tm) =	ssettm $0x7FFFFFFF  }
0xc3: {  	_ =	shalt  }
tec
execute0_lowered:
.L_overlay_start_1:
0x0: {  	(tag) =	ssettag $0x1  }
0x1: {  	s0 =	srdreg.scid;
	s6 =	rddreg [dreg:$0x0]  }
0x2: {  	s2 =	rddreg [dreg:$0x1];
	s3 =	simm.s32 $0x0;
	s13 =	simm.s32 $0x7C00  }
0x3: {  	s14 =	simm.s32 $0x0;
	s4 =	sand.u32 $0x1, s0;
	s0 =	stileid.u32  }
0x4: {  	[smem:$0x7FF] =	sst s3;
	s1 =	sshll.u32 s4, $0x4;
	s10 =	smul.u32 $0x7A120, s4  }
0x5: {  	s9 =	sshll.u32 s0, $0x4;
	s11 =	smul.u32 $0x7A12, s0;
	s5 =	sor.u32 s0, s1  }
0x6: {  	s4 =	ssub.s32 $0x2, s4;
	s9 =	sand.u32 $0x70, s9;
	s1 =	smul.u32 $0x7A12, s5  }
0x7: {  	s28 =	sshrl.u32 s4, $0x1;
	s8 =	smul.u32 $0xA00, s5;
	s5 =	sshll.u32 s5, $0x4  }
0x8: {  	v0 =	vlaneseq.u32;
	s10 =	sadd.s32 s11, s10;
	s29 =	ssub.s32 s4, s28;
	s11 =	simm.s32 $0x1  }
0x9: {  	v1 =	vmul.u32 $0x10, v0;
	s5 =	sand.u32 $0x180, s5;
	s30 =	sand.u32 $0xFFFF8, s10;
	s7 =	sand.u32 $0xFFFF8, s1  }
0xa: {  	s1 =	rddreg [dreg:$0x2];
	_ =	strace $0x80000047;
	s8 =	sadd.s32 s8, s6  }
0xb: {  	v2 =	vor.u32 $0x1, v1;
	v3 =	vor.u32 $0x2, v1;
	v4 =	vor.u32 $0x3, v1;
	s5 =	sor.u32 s9, s5;
	s12 =	smin.u32 s30, $0xEC820;
	s7 =	smin.u32 s7, $0xEC820  }
0xc: {  	v5 =	vor.u32 $0x4, v1;
	v6 =	vor.u32 $0x5, v1;
	v7 =	vor.u32 $0x6, v1;
	s9 =	sadd.s32 s5, s6;
	s4 =	sadd.s32 $0x1F600, s8;
	s8 =	smax.u32 s29, $0x1  }
0xd: {  	v8 =	vor.u32 $0x7, v1;
	v9 =	vor.u32 $0x8, v1;
	v10 =	vor.u32 $0x9, v1;
	s31 =	ssub.s32 s10, s12;
	s10 =	simm.s32 $0x7B80;
	s7 =	sshrl.u32 s7, $0x3  }
0xe: {  	v11 =	vor.u32 $0xA, v1;
	v12 =	vor.u32 $0xB, v1;
	v13 =	vor.u32 $0xC, v1;
	s12 =	simm.s32 $0x7A80;
	s5 =	sadd.s32 $0x33800, s9;
	s7 =	sadd.s32 s7, s6  }
0xf: {  	v14 =	vor.u32 $0xD, v1;
	v15 =	vor.u32 $0xE, v1;
	v16 =	vor.u32 $0xF, v1;
	s6 =	sadd.s32 $0xC00, s7;
	s7 =	sadd.s32 $0x33600, s9;
	s9 =	sadd.s32 $0x20, s31  }
.LBB2_1:
0x10: {  	[tilespmem:s10], [sflag:$0x1] =	stream.linear.gather [hbm4b:s2+s3], $0x80, $0x38;
	[tilespmem:$0x7C80] =	vst v63  }
0x11: {  	_ =	swait.ge [sflag:s11], $0x80  }
0x12: {  	[sflag:s11] =	ssyncset.done $0x0  }
0x13: {  	[sflag:s11] =	ssyncadd.s32 $0xFFFFFF80  }
0x14: {  	v18 =	vld [tilespmem:$0x7B80]  }
0x15: {  	v19 =	vld [tilespmem:$0x7B90]  }
0x16: {  	v20 =	vld [tilespmem:$0x7BA0]  }
0x17: {  	v17 =	vld [tilespmem:$0x7BB0];
	[tilespmem:s3], [sflag:$0x1] =	stream.linear.gather [hbm4b:s4+s3], $0x5000, $0x38  }
0x18: {  	_ =	swait.ge [sflag:s11], $0x5000  }
0x19: {  	[sflag:s11] =	ssyncset.done $0x0  }
0x1a: {  	s15 =	simm.s32 $0x200;
	[sflag:s11] =	ssyncadd.s32 $0xFFFFB000  }
0x1b: {  	v21 =	vld [tilespmem:s15+$0xFFFFFE10]  }
0x1c: {  	v22 =	vld [tilespmem:s15+$0xFFFFFE00];
	_ =	sdelay $0x1  }
0x1d: {  	v23 =	vld [tilespmem:s15+$0xFFFFFE20];
	_ =	sdelay $0x1  }
0x1e: {  	v24 =	vld [tilespmem:s15+$0xFFFFFE30]  }
0x1f: {  	v22 =	vsub.f32 v22, v18;
	v21 =	vsub.f32 v21, v19;
	_ =	sdelay $0x1  }
0x20: {  	v23 =	vsub.f32 v23, v20;
	v22 =	vmul.f32 v22, v22;
	v21 =	vmul.f32 v21, v21;
	_ =	sdelay $0x1  }
0x21: {  	v23 =	vmul.f32 v23, v23;
	v21 =	vadd.f32 v21, v22;
	v22 =	vsub.f32 v24, v17;
	_ =	sdelay $0x1  }
0x22: {  	v21 =	vadd.f32 v23, v21;
	v22 =	vmul.f32 v22, v22;
	_ =	sdelay $0x1  }
0x23: {  	v21 =	vadd.f32 v22, v21;
	_ =	sdelay $0x1  }
0x24: {  	[tilespmem:$0x7A80] =	vst v21  }
0x25: {  	v21 =	vld [tilespmem:s15+$0xFFFFFE40]  }
0x26: {  	v22 =	vld [tilespmem:s15+$0xFFFFFE50];
	_ =	sdelay $0x1  }
0x27: {  	v23 =	vld [tilespmem:s15+$0xFFFFFE60];
	_ =	sdelay $0x1  }
0x28: {  	v24 =	vld [tilespmem:s15+$0xFFFFFE70]  }
0x29: {  	v21 =	vsub.f32 v21, v18;
	v22 =	vsub.f32 v22, v19;
	_ =	sdelay $0x1  }
0x2a: {  	v23 =	vsub.f32 v23, v20;
	v21 =	vmul.f32 v21, v21;
	v22 =	vmul.f32 v22, v22;
	_ =	sdelay $0x1  }
0x2b: {  	v24 =	vsub.f32 v24, v17;
	v21 =	vadd.f32 v22, v21;
	v22 =	vmul.f32 v23, v23;
	_ =	sdelay $0x1  }
0x2c: {  	v21 =	vadd.f32 v22, v21;
	v22 =	vmul.f32 v24, v24;
	_ =	sdelay $0x1  }
0x2d: {  	v21 =	vadd.f32 v22, v21;
	_ =	sdelay $0x1  }
0x2e: {  	[tilespmem:$0x7A90] =	vst v21  }
0x2f: {  	v21 =	vld [tilespmem:s15+$0xFFFFFE80]  }
0x30: {  	v22 =	vld [tilespmem:s15+$0xFFFFFE90];
	_ =	sdelay $0x1  }
0x31: {  	v23 =	vld [tilespmem:s15+$0xFFFFFEA0];
	_ =	sdelay $0x1  }
0x32: {  	v24 =	vld [tilespmem:s15+$0xFFFFFEB0]  }
0x33: {  	v21 =	vsub.f32 v21, v18;
	v22 =	vsub.f32 v22, v19;
	_ =	sdelay $0x1  }
0x34: {  	v23 =	vsub.f32 v23, v20;
	v21 =	vmul.f32 v21, v21;
	v22 =	vmul.f32 v22, v22;
	_ =	sdelay $0x1  }
0x35: {  	v24 =	vsub.f32 v24, v17;
	v21 =	vadd.f32 v22, v21;
	v22 =	vmul.f32 v23, v23;
	_ =	sdelay $0x1  }
0x36: {  	v21 =	vadd.f32 v22, v21;
	v22 =	vmul.f32 v24, v24;
	_ =	sdelay $0x1  }
0x37: {  	v21 =	vadd.f32 v22, v21;
	_ =	sdelay $0x1  }
0x38: {  	[tilespmem:$0x7AA0] =	vst v21  }
0x39: {  	v21 =	vld [tilespmem:s15+$0xFFFFFEC0]  }
0x3a: {  	v22 =	vld [tilespmem:s15+$0xFFFFFED0];
	_ =	sdelay $0x1  }
0x3b: {  	v23 =	vld [tilespmem:s15+$0xFFFFFEE0];
	_ =	sdelay $0x1  }
0x3c: {  	v24 =	vld [tilespmem:s15+$0xFFFFFEF0]  }
0x3d: {  	v21 =	vsub.f32 v21, v18;
	v22 =	vsub.f32 v22, v19;
	_ =	sdelay $0x1  }
0x3e: {  	v23 =	vsub.f32 v23, v20;
	v21 =	vmul.f32 v21, v21;
	v22 =	vmul.f32 v22, v22;
	_ =	sdelay $0x1  }
0x3f: {  	v24 =	vsub.f32 v24, v17;
	v21 =	vadd.f32 v22, v21;
	v22 =	vmul.f32 v23, v23;
	_ =	sdelay $0x1  }
0x40: {  	v21 =	vadd.f32 v22, v21;
	v22 =	vmul.f32 v24, v24;
	_ =	sdelay $0x1  }
0x41: {  	v21 =	vadd.f32 v22, v21;
	_ =	sdelay $0x1  }
0x42: {  	[tilespmem:$0x7AB0] =	vst v21  }
0x43: {  	v21 =	vld [tilespmem:s15+$0xFFFFFF00]  }
0x44: {  	v22 =	vld [tilespmem:s15+$0xFFFFFF10];
	_ =	sdelay $0x1  }
0x45: {  	v23 =	vld [tilespmem:s15+$0xFFFFFF20];
	_ =	sdelay $0x1  }
0x46: {  	v24 =	vld [tilespmem:s15+$0xFFFFFF30]  }
0x47: {  	v21 =	vsub.f32 v21, v18;
	v22 =	vsub.f32 v22, v19;
	_ =	sdelay $0x1  }
0x48: {  	v23 =	vsub.f32 v23, v20;
	v21 =	vmul.f32 v21, v21;
	v22 =	vmul.f32 v22, v22;
	_ =	sdelay $0x1  }
0x49: {  	v24 =	vsub.f32 v24, v17;
	v21 =	vadd.f32 v22, v21;
	v22 =	vmul.f32 v23, v23;
	_ =	sdelay $0x1  }
0x4a: {  	v21 =	vadd.f32 v22, v21;
	v22 =	vmul.f32 v24, v24;
	_ =	sdelay $0x1  }
0x4b: {  	v21 =	vadd.f32 v22, v21;
	_ =	sdelay $0x1  }
0x4c: {  	[tilespmem:$0x7AC0] =	vst v21  }
0x4d: {  	v21 =	vld [tilespmem:s15+$0xFFFFFF40]  }
0x4e: {  	v22 =	vld [tilespmem:s15+$0xFFFFFF50];
	_ =	sdelay $0x1  }
0x4f: {  	v23 =	vld [tilespmem:s15+$0xFFFFFF60];
	_ =	sdelay $0x1  }
0x50: {  	v24 =	vld [tilespmem:s15+$0xFFFFFF70]  }
0x51: {  	v21 =	vsub.f32 v21, v18;
	v22 =	vsub.f32 v22, v19;
	_ =	sdelay $0x1  }
0x52: {  	v23 =	vsub.f32 v23, v20;
	v21 =	vmul.f32 v21, v21;
	v22 =	vmul.f32 v22, v22;
	_ =	sdelay $0x1  }
0x53: {  	v24 =	vsub.f32 v24, v17;
	v21 =	vadd.f32 v22, v21;
	v22 =	vmul.f32 v23, v23;
	_ =	sdelay $0x1  }
0x54: {  	v21 =	vadd.f32 v22, v21;
	v22 =	vmul.f32 v24, v24;
	_ =	sdelay $0x1  }
0x55: {  	v21 =	vadd.f32 v22, v21;
	_ =	sdelay $0x1  }
0x56: {  	[tilespmem:$0x7AD0] =	vst v21  }
0x57: {  	v21 =	vld [tilespmem:s15+$0xFFFFFF80]  }
0x58: {  	v22 =	vld [tilespmem:s15+$0xFFFFFF90];
	_ =	sdelay $0x1  }
0x59: {  	v23 =	vld [tilespmem:s15+$0xFFFFFFA0];
	_ =	sdelay $0x1  }
0x5a: {  	v24 =	vld [tilespmem:s15+$0xFFFFFFB0]  }
0x5b: {  	v21 =	vsub.f32 v21, v18;
	v22 =	vsub.f32 v22, v19;
	_ =	sdelay $0x1  }
0x5c: {  	v23 =	vsub.f32 v23, v20;
	v21 =	vmul.f32 v21, v21;
	v22 =	vmul.f32 v22, v22;
	_ =	sdelay $0x1  }
0x5d: {  	v24 =	vsub.f32 v24, v17;
	v21 =	vadd.f32 v22, v21;
	v22 =	vmul.f32 v23, v23;
	_ =	sdelay $0x1  }
0x5e: {  	v21 =	vadd.f32 v22, v21;
	v22 =	vmul.f32 v24, v24;
	_ =	sdelay $0x1  }
0x5f: {  	v21 =	vadd.f32 v22, v21;
	_ =	sdelay $0x1  }
0x60: {  	[tilespmem:$0x7AE0] =	vst v21  }
0x61: {  	v21 =	vld [tilespmem:s15+$0xFFFFFFC0]  }
0x62: {  	v22 =	vld [tilespmem:s15+$0xFFFFFFD0];
	_ =	sdelay $0x1  }
0x63: {  	v23 =	vld [tilespmem:s15+$0xFFFFFFE0];
	_ =	sdelay $0x1  }
0x64: {  	v24 =	vld [tilespmem:s15+$0xFFFFFFF0]  }
0x65: {  	v21 =	vsub.f32 v21, v18;
	v22 =	vsub.f32 v22, v19;
	_ =	sdelay $0x1  }
0x66: {  	v23 =	vsub.f32 v23, v20;
	v21 =	vmul.f32 v21, v21;
	v22 =	vmul.f32 v22, v22;
	_ =	sdelay $0x1  }
0x67: {  	v24 =	vsub.f32 v24, v17;
	v21 =	vadd.f32 v22, v21;
	v22 =	vmul.f32 v23, v23;
	_ =	sdelay $0x1  }
0x68: {  	v21 =	vadd.f32 v22, v21;
	v22 =	vmul.f32 v24, v24;
	_ =	sdelay $0x1  }
0x69: {  	v21 =	vadd.f32 v22, v21;
	_ =	sdelay $0x1  }
0x6a: {  	[tilespmem:$0x7AF0] =	vst v21  }
0x6b: {  	v21 =	vld [tilespmem:s15+$0x0]  }
0x6c: {  	v22 =	vld [tilespmem:s15+$0x10];
	_ =	sdelay $0x1  }
0x6d: {  	v23 =	vld [tilespmem:s15+$0x20];
	_ =	sdelay $0x1  }
0x6e: {  	v24 =	vld [tilespmem:s15+$0x30]  }
0x6f: {  	v21 =	vsub.f32 v21, v18;
	v22 =	vsub.f32 v22, v19;
	_ =	sdelay $0x1  }
0x70: {  	v23 =	vsub.f32 v23, v20;
	v21 =	vmul.f32 v21, v21;
	v22 =	vmul.f32 v22, v22;
	_ =	sdelay $0x1  }
0x71: {  	v24 =	vsub.f32 v24, v17;
	v21 =	vadd.f32 v22, v21;
	v22 =	vmul.f32 v23, v23;
	_ =	sdelay $0x1  }
0x72: {  	v21 =	vadd.f32 v22, v21;
	v22 =	vmul.f32 v24, v24;
	_ =	sdelay $0x1  }
0x73: {  	v21 =	vadd.f32 v22, v21;
	_ =	sdelay $0x1  }
0x74: {  	[tilespmem:$0x7B00] =	vst v21  }
0x75: {  	v21 =	vld [tilespmem:s15+$0x40]  }
0x76: {  	v22 =	vld [tilespmem:s15+$0x50];
	_ =	sdelay $0x1  }
0x77: {  	v23 =	vld [tilespmem:s15+$0x60];
	_ =	sdelay $0x1  }
0x78: {  	v24 =	vld [tilespmem:s15+$0x70]  }
0x79: {  	v21 =	vsub.f32 v21, v18;
	v22 =	vsub.f32 v22, v19;
	_ =	sdelay $0x1  }
0x7a: {  	v23 =	vsub.f32 v23, v20;
	v21 =	vmul.f32 v21, v21;
	v22 =	vmul.f32 v22, v22;
	_ =	sdelay $0x1  }
0x7b: {  	v24 =	vsub.f32 v24, v17;
	v21 =	vadd.f32 v22, v21;
	v22 =	vmul.f32 v23, v23;
	_ =	sdelay $0x1  }
0x7c: {  	v21 =	vadd.f32 v22, v21;
	v22 =	vmul.f32 v24, v24;
	_ =	sdelay $0x1  }
0x7d: {  	v21 =	vadd.f32 v22, v21;
	_ =	sdelay $0x1  }
0x7e: {  	[tilespmem:$0x7B10] =	vst v21  }
0x7f: {  	v21 =	vld [tilespmem:s15+$0x80]  }
0x80: {  	v22 =	vld [tilespmem:s15+$0x90];
	_ =	sdelay $0x1  }
0x81: {  	v23 =	vld [tilespmem:s15+$0xA0];
	_ =	sdelay $0x1  }
0x82: {  	v24 =	vld [tilespmem:s15+$0xB0]  }
0x83: {  	v21 =	vsub.f32 v21, v18;
	v22 =	vsub.f32 v22, v19;
	_ =	sdelay $0x1  }
0x84: {  	v23 =	vsub.f32 v23, v20;
	v21 =	vmul.f32 v21, v21;
	v22 =	vmul.f32 v22, v22;
	_ =	sdelay $0x1  }
0x85: {  	v24 =	vsub.f32 v24, v17;
	v21 =	vadd.f32 v22, v21;
	v22 =	vmul.f32 v23, v23;
	_ =	sdelay $0x1  }
0x86: {  	v21 =	vadd.f32 v22, v21;
	v22 =	vmul.f32 v24, v24;
	_ =	sdelay $0x1  }
0x87: {  	v21 =	vadd.f32 v22, v21;
	_ =	sdelay $0x1  }
0x88: {  	[tilespmem:$0x7B20] =	vst v21  }
0x89: {  	v21 =	vld [tilespmem:s15+$0xC0]  }
0x8a: {  	v22 =	vld [tilespmem:s15+$0xD0];
	_ =	sdelay $0x1  }
0x8b: {  	v23 =	vld [tilespmem:s15+$0xE0];
	_ =	sdelay $0x1  }
0x8c: {  	v24 =	vld [tilespmem:s15+$0xF0]  }
0x8d: {  	v21 =	vsub.f32 v21, v18;
	v22 =	vsub.f32 v22, v19;
	_ =	sdelay $0x1  }
0x8e: {  	v23 =	vsub.f32 v23, v20;
	v21 =	vmul.f32 v21, v21;
	v22 =	vmul.f32 v22, v22;
	_ =	sdelay $0x1  }
0x8f: {  	v24 =	vsub.f32 v24, v17;
	v21 =	vadd.f32 v22, v21;
	v22 =	vmul.f32 v23, v23;
	_ =	sdelay $0x1  }
0x90: {  	v21 =	vadd.f32 v22, v21;
	v22 =	vmul.f32 v24, v24;
	_ =	sdelay $0x1  }
0x91: {  	v21 =	vadd.f32 v22, v21;
	_ =	sdelay $0x1  }
0x92: {  	[tilespmem:$0x7B30] =	vst v21  }
0x93: {  	v21 =	vld [tilespmem:s15+$0x100]  }
0x94: {  	v22 =	vld [tilespmem:s15+$0x110];
	_ =	sdelay $0x1  }
0x95: {  	v23 =	vld [tilespmem:s15+$0x120];
	_ =	sdelay $0x1  }
0x96: {  	v24 =	vld [tilespmem:s15+$0x130]  }
0x97: {  	v21 =	vsub.f32 v21, v18;
	v22 =	vsub.f32 v22, v19;
	_ =	sdelay $0x1  }
0x98: {  	v23 =	vsub.f32 v23, v20;
	v21 =	vmul.f32 v21, v21;
	v22 =	vmul.f32 v22, v22;
	_ =	sdelay $0x1  }
0x99: {  	v24 =	vsub.f32 v24, v17;
	v21 =	vadd.f32 v22, v21;
	v22 =	vmul.f32 v23, v23;
	_ =	sdelay $0x1  }
0x9a: {  	v21 =	vadd.f32 v22, v21;
	v22 =	vmul.f32 v24, v24;
	_ =	sdelay $0x1  }
0x9b: {  	v21 =	vadd.f32 v22, v21;
	_ =	sdelay $0x1  }
0x9c: {  	[tilespmem:$0x7B40] =	vst v21  }
0x9d: {  	v21 =	vld [tilespmem:s15+$0x140]  }
0x9e: {  	v22 =	vld [tilespmem:s15+$0x150];
	_ =	sdelay $0x1  }
0x9f: {  	v23 =	vld [tilespmem:s15+$0x160];
	_ =	sdelay $0x1  }
0xa0: {  	v24 =	vld [tilespmem:s15+$0x170]  }
0xa1: {  	v21 =	vsub.f32 v21, v18;
	v22 =	vsub.f32 v22, v19;
	_ =	sdelay $0x1  }
0xa2: {  	v23 =	vsub.f32 v23, v20;
	v21 =	vmul.f32 v21, v21;
	v22 =	vmul.f32 v22, v22;
	_ =	sdelay $0x1  }
0xa3: {  	v24 =	vsub.f32 v24, v17;
	v21 =	vadd.f32 v22, v21;
	v22 =	vmul.f32 v23, v23;
	_ =	sdelay $0x1  }
0xa4: {  	v21 =	vadd.f32 v22, v21;
	v22 =	vmul.f32 v24, v24;
	_ =	sdelay $0x1  }
0xa5: {  	v21 =	vadd.f32 v22, v21;
	_ =	sdelay $0x1  }
0xa6: {  	[tilespmem:$0x7B50] =	vst v21  }
0xa7: {  	v21 =	vld [tilespmem:s15+$0x180]  }
0xa8: {  	v22 =	vld [tilespmem:s15+$0x190];
	_ =	sdelay $0x1  }
0xa9: {  	v23 =	vld [tilespmem:s15+$0x1A0];
	_ =	sdelay $0x1  }
0xaa: {  	v24 =	vld [tilespmem:s15+$0x1B0]  }
0xab: {  	v21 =	vsub.f32 v21, v18;
	v22 =	vsub.f32 v22, v19;
	_ =	sdelay $0x1  }
0xac: {  	v23 =	vsub.f32 v23, v20;
	v21 =	vmul.f32 v21, v21;
	v22 =	vmul.f32 v22, v22;
	_ =	sdelay $0x1  }
0xad: {  	v24 =	vsub.f32 v24, v17;
	v23 =	vmul.f32 v23, v23;
	v21 =	vadd.f32 v22, v21;
	_ =	sdelay $0x1  }
0xae: {  	v22 =	vmul.f32 v24, v24;
	v21 =	vadd.f32 v23, v21;
	_ =	sdelay $0x1  }
0xaf: {  	v21 =	vadd.f32 v22, v21;
	_ =	sdelay $0x1  }
0xb0: {  	[tilespmem:$0x7B60] =	vst v21  }
0xb1: {  	v21 =	vld [tilespmem:s15+$0x1C0]  }
0xb2: {  	v22 =	vld [tilespmem:s15+$0x1D0];
	_ =	sdelay $0x1  }
0xb3: {  	v23 =	vld [tilespmem:s15+$0x1E0];
	_ =	sdelay $0x1  }
0xb4: {  	v24 =	vld [tilespmem:s15+$0x1F0]  }
0xb5: {  	v21 =	vsub.f32 v21, v18;
	v22 =	vsub.f32 v22, v19;
	_ =	sdelay $0x1  }
0xb6: {  	v23 =	vsub.f32 v23, v20;
	v21 =	vmul.f32 v21, v21;
	v22 =	vmul.f32 v22, v22;
	_ =	sdelay $0x1  }
0xb7: {  	v24 =	vsub.f32 v24, v17;
	v21 =	vadd.f32 v22, v21;
	v22 =	vmul.f32 v23, v23;
	_ =	sdelay $0x1  }
0xb8: {  	v21 =	vadd.f32 v22, v21;
	v22 =	vmul.f32 v24, v24;
	_ =	sdelay $0x1  }
0xb9: {  	v21 =	vadd.f32 v22, v21;
	_ =	sdelay $0x1  }
0xba: {  	s15 =	simm.s32 $0x600;
	[tilespmem:$0x7B70] =	vst v21  }
0xbb: {  	v21 =	vld [tilespmem:s15+$0xFFFFFE30]  }
0xbc: {  	v22 =	vld [tilespmem:s15+$0xFFFFFE20]  }
0xbd: {  	v23 =	vld [tilespmem:s15+$0xFFFFFE10]  }
0xbe: {  	v24 =	vld.idx.msk [tilespmem:v14+s12+$0x0], $0xffff  }
0xbf: {  	v25 =	vld.idx.msk [tilespmem:v16+s12+$0x0], $0xffff  }
0xc0: {  	v26 =	vld [tilespmem:s15+$0xFFFFFE00]  }
0xc1: {  	v27 =	vld.idx.msk [tilespmem:v6+s12+$0x0], $0xffff  }
0xc2: {  	v28 =	vld.idx.msk [tilespmem:v1+s12+$0x0], $0xffff  }
0xc3: {  	v29 =	vld.idx.msk [tilespmem:v15+s12+$0x0], $0xffff  }
0xc4: {  	v30 =	vld.idx.msk [tilespmem:v13+s12+$0x0], $0xffff  }
0xc5: {  	v31 =	vld.idx.msk [tilespmem:v12+s12+$0x0], $0xffff  }
0xc6: {  	v32 =	vld.idx.msk [tilespmem:v11+s12+$0x0], $0xffff  }
0xc7: {  	v33 =	vld.idx.msk [tilespmem:v4+s12+$0x0], $0xffff  }
0xc8: {  	v34 =	vld.idx.msk [tilespmem:v10+s12+$0x0], $0xffff  }
0xc9: {  	v35 =	vld.idx.msk [tilespmem:v8+s12+$0x0], $0xffff;
	v26 =	vsub.f32 v26, v18;
	v23 =	vsub.f32 v23, v19  }
0xca: {  	v36 =	vld.idx.msk [tilespmem:v5+s12+$0x0], $0xffff  }
0xcb: {  	v37 =	vld.idx.msk [tilespmem:v3+s12+$0x0], $0xffff;
	v22 =	vsub.f32 v22, v20;
	v26 =	vmul.f32 v26, v26;
	v23 =	vmul.f32 v23, v23  }
0xcc: {  	v38 =	vld.idx.msk [tilespmem:v2+s12+$0x0], $0xffff  }
0xcd: {  	v39 =	vld.idx.msk [tilespmem:v9+s12+$0x0], $0xffff;
	v21 =	vsub.f32 v21, v17;
	v22 =	vmul.f32 v22, v22;
	v23 =	vadd.f32 v23, v26  }
0xce: {  	v26 =	vld.idx.msk [tilespmem:v7+s12+$0x0], $0xffff  }
0xcf: {  	v25 =	vadd.f32 v25, v29;
	v21 =	vmul.f32 v21, v21;
	v22 =	vadd.f32 v22, v23  }
0xd0: {  	v24 =	vadd.f32 v24, v30;
	v63 =	vadd.f32 v31, v32  }
0xd1: {  	v28 =	vadd.f32 v38, v28;
	v21 =	vadd.f32 v21, v22  }
0xd2: {  	v23 =	vadd.f32 v27, v36;
	v22 =	vadd.f32 v34, v39  }
0xd3: {  	v27 =	vadd.f32 v33, v37;
	v26 =	vadd.f32 v35, v26;
	[tilespmem:$0x7A80] =	vst v21  }
0xd4: {  	v24 =	vadd.f32 v25, v24;
	v21 =	vadd.f32 v63, v22;
	v22 =	vld [tilespmem:s15+$0xFFFFFE40]  }
0xd5: {  	v25 =	vadd.f32 v27, v28;
	v23 =	vadd.f32 v26, v23;
	v26 =	vld [tilespmem:s15+$0xFFFFFE50];
	_ =	sdelay $0x1  }
0xd6: {  	v21 =	vadd.f32 v24, v21;
	v24 =	vld [tilespmem:s15+$0xFFFFFE60];
	v23 =	vadd.f32 v23, v25  }
0xd7: {  	s16 =	simm.s32 $0x140  }
0xd8: {  	v25 =	vmov s16;
	v21 =	vadd.f32 v21, v23;
	v23 =	vld [tilespmem:s15+$0xFFFFFE70]  }
0xd9: {  	vm0 =	vgt.u32 v25, v0;
	v22 =	vsub.f32 v22, v18;
	v25 =	vsub.f32 v26, v19  }
0xda: {  	v21 =	vnsel vm0, $0x7F800000, v21  }
0xdb: {  	v24 =	vsub.f32 v24, v20;
	(xrf0) =	vmin.scan.msk.f32 $0xffff, v21;
	v22 =	vmul.f32 v22, v22;
	v25 =	vmul.f32 v25, v25;
	_ =	sdelay $0x1  }
0xdc: {  	v24 =	vmul.f32 v24, v24;
	v23 =	vsub.f32 v23, v17;
	v22 =	vadd.f32 v25, v22;
	_ =	sdelay $0x1  }
0xdd: {  	v22 =	vadd.f32 v24, v22;
	v23 =	vmul.f32 v23, v23;
	_ =	sdelay $0x1  }
0xde: {  	v24, _, _ =	vpop (xrf0);
	v22 =	vadd.f32 v23, v22  }
0xdf: {  	(v2sf) =	vpush v24, $0xF  }
0xe0: {  	[tilespmem:$0x7A90] =	vst v22  }
0xe1: {  	v22 =	vld [tilespmem:s15+$0xFFFFFE80]  }
0xe2: {  	v23 =	vld [tilespmem:s15+$0xFFFFFE90];
	_ =	sdelay $0x1  }
0xe3: {  	v24 =	vld [tilespmem:s15+$0xFFFFFEA0];
	_ =	sdelay $0x1  }
0xe4: {  	v25 =	vld [tilespmem:s15+$0xFFFFFEB0]  }
0xe5: {  	v22 =	vsub.f32 v22, v18;
	v23 =	vsub.f32 v23, v19;
	_ =	sdelay $0x1  }
0xe6: {  	v24 =	vsub.f32 v24, v20;
	v22 =	vmul.f32 v22, v22;
	v23 =	vmul.f32 v23, v23;
	_ =	sdelay $0x1  }
0xe7: {  	v25 =	vsub.f32 v25, v17;
	v22 =	vadd.f32 v23, v22;
	v23 =	vmul.f32 v24, v24;
	_ =	sdelay $0x1  }
0xe8: {  	v22 =	vadd.f32 v23, v22;
	v23 =	vmul.f32 v25, v25  }
0xe9: {  	s16 =	simm.f32 $+Inf;
	s17 =	spop (v2sf)  }
0xea: {  	v22 =	vadd.f32 v23, v22;
	p1 =	slt.f32 s17, s16;
	_ =	sdelay $0x1  }
0xeb: {  	[tilespmem:$0x7AA0] =	vst v22;
	(xrf1) =	vsort.ascd.msk.f32 @p1 $0xffff, v21, v21  }
0xec: {  	v21 =	vld [tilespmem:s15+$0xFFFFFEC0]  }
0xed: {  	v22 =	vld [tilespmem:s15+$0xFFFFFED0]  }
0xee: {  	v23 =	vld [tilespmem:s15+$0xFFFFFEE0];
	_ =	sdelay $0x3  }
0xef: {  	v24 =	vld [tilespmem:s15+$0xFFFFFEF0];
	v21 =	vsub.f32 v21, v18  }
0xf0: {  	v22 =	vsub.f32 v22, v19;
	v23 =	vsub.f32 v23, v20  }
0xf1: {  	v21 =	vmul.f32 v21, v21  }
0xf2: {  	v22 =	vmul.f32 v22, v22;
	v23 =	vmul.f32 v23, v23  }
0xf3: {  	v25 =	vlaneseq.u32 @p1  }
0xf4: {  	v25 =	vmul.u32 @p1 $0xFFFFFFFF, v25;
	v26 =	vsub.f32 v24, v17;
	v24 =	vadd.f32 v22, v21  }
0xf5: {  	v21 =	vimm.f32 $+Inf  }
0xf6: {  	s19 =	simm.s32 $0x120;
	s18 =	simm.s32 $0x600;
	s17 =	simm.s32 $0x130;
	v22 =	vadd.s32 @p1 $0xF, v25;
	v25 =	vmul.f32 v26, v26;
	v24 =	vadd.f32 v23, v24;
	v23, _, _ =	vpop @p1 (xrf1)  }
.LBB2_2:
0xf7: {  	v22 =	vperm.xlane @p1 v23, v22;
	s20 =	smov.u32 s19;
	s19 =	sadd.s32 $0xFFFFFFF0, s19  }
0xf8: {  	p0 =	sne.s32 s19, $0x0;
	v23 =	vadd.f32 v25, v24  }
0xf9: {  	v22 =	vmin.f32 @p1 v21, v22  }
0xfa: {  	[tilespmem:$0x7AB0] =	vst v23;
	(xrf1) =	vsort.ascd.msk.f32 @p1 $0xffff, v22, v22  }
0xfb: {  	v22 =	vld [tilespmem:s15+$0xFFFFFF00]  }
0xfc: {  	v23 =	vld [tilespmem:s15+$0xFFFFFF10]  }
0xfd: {  	v24 =	vld [tilespmem:s15+$0xFFFFFF20]  }
0xfe: {  	v25 =	vld [tilespmem:s15+$0xFFFFFF30];
	_ =	sdelay $0x1  }
0xff: {  	v22 =	vsub.f32 v22, v18  }
0x100: {  	v23 =	vsub.f32 v23, v19  }
0x101: {  	v24 =	vsub.f32 v24, v20;
	v22 =	vmul.f32 v22, v22  }
0x102: {  	v25 =	vsub.f32 v25, v17;
	v23 =	vmul.f32 v23, v23;
	_ =	sdelay $0x1  }
0x103: {  	v22 =	vadd.f32 v23, v22;
	v23 =	vmul.f32 v24, v24;
	_ =	sdelay $0x1  }
0x104: {  	v22 =	vadd.f32 v23, v22;
	v23 =	vmul.f32 v25, v25  }
0x105: {  	v24, _, _ =	vpop @p1 (xrf1)  }
0x106: {  	v22 =	vadd.f32 v23, v22;
	v21 =	vpsel p1, v24, v21;
	(xrf0) =	vmax.scan.msk.f32 @p1 $0xffff, v24;
	_ =	sdelay $0x1  }
0x107: {  	[tilespmem:$0x7AC0] =	vst v22  }
0x108: {  	v22 =	vld [tilespmem:s15+$0xFFFFFF40]  }
0x109: {  	v23 =	vld [tilespmem:s15+$0xFFFFFF50]  }
0x10a: {  	v24 =	vld [tilespmem:s15+$0xFFFFFF60]  }
0x10b: {  	v25 =	vld [tilespmem:s15+$0xFFFFFF70];
	v26, _, _ =	vpop @p1 (xrf0)  }
0x10c: {  	(v2sf) =	vpush @p1 v26, $0xF  }
0x10d: {  	v22 =	vsub.f32 v22, v18  }
0x10e: {  	v23 =	vsub.f32 v23, v19  }
0x10f: {  	v24 =	vsub.f32 v24, v20  }
0x110: {  	v22 =	vmul.f32 v22, v22;
	v25 =	vsub.f32 v25, v17;
	v23 =	vmul.f32 v23, v23;
	_ =	sdelay $0x1  }
0x111: {  	v22 =	vadd.f32 v23, v22;
	v23 =	vmul.f32 v24, v24;
	_ =	sdelay $0x1  }
0x112: {  	v22 =	vadd.f32 v23, v22;
	v23 =	vmul.f32 v25, v25;
	_ =	sdelay $0x1  }
0x113: {  	v22 =	vadd.f32 v23, v22;
	_ =	sdelay $0x1  }
0x114: {  	[tilespmem:$0x7AD0] =	vst v22  }
0x115: {  	v22 =	vld [tilespmem:s15+$0xFFFFFF80]  }
0x116: {  	v23 =	vld [tilespmem:s15+$0xFFFFFFA0]  }
0x117: {  	v24 =	vld [tilespmem:s15+$0xFFFFFFB0];
	s21 =	spop @p1 (v2sf)  }
0x118: {  	v25 =	vld [tilespmem:s15+$0xFFFFFF90];
	s16 =	smov.u32 @p1 s21;
	_ =	sdelay $0x1  }
0x119: {  	v22 =	vsub.f32 v22, v18  }
0x11a: {  	v23 =	vsub.f32 v23, v20  }
0x11b: {  	v24 =	vsub.f32 v24, v17  }
0x11c: {  	v25 =	vsub.f32 v25, v19;
	_ =	sdelay $0x1  }
0x11d: {  	v22 =	vmul.f32 v22, v22;
	v25 =	vmul.f32 v25, v25;
	_ =	sdelay $0x1  }
0x11e: {  	v23 =	vmul.f32 v23, v23;
	v22 =	vadd.f32 v25, v22;
	_ =	sdelay $0x1  }
0x11f: {  	v22 =	vadd.f32 v23, v22;
	v23 =	vmul.f32 v24, v24;
	_ =	sdelay $0x1  }
0x120: {  	v22 =	vadd.f32 v23, v22;
	_ =	sdelay $0x1  }
0x121: {  	[tilespmem:$0x7AE0] =	vst v22  }
0x122: {  	v22 =	vld [tilespmem:s15+$0xFFFFFFC0]  }
0x123: {  	v23 =	vld [tilespmem:s15+$0xFFFFFFD0]  }
0x124: {  	v24 =	vld [tilespmem:s15+$0xFFFFFFE0]  }
0x125: {  	v25 =	vld [tilespmem:s15+$0xFFFFFFF0];
	_ =	sdelay $0x1  }
0x126: {  	v22 =	vsub.f32 v22, v18  }
0x127: {  	v23 =	vsub.f32 v23, v19  }
0x128: {  	v22 =	vmul.f32 v22, v22  }
0x129: {  	v24 =	vsub.f32 v24, v20;
	v25 =	vsub.f32 v25, v17;
	v23 =	vmul.f32 v23, v23;
	_ =	sdelay $0x1  }
0x12a: {  	v22 =	vadd.f32 v23, v22;
	v23 =	vmul.f32 v24, v24;
	_ =	sdelay $0x1  }
0x12b: {  	v22 =	vadd.f32 v23, v22;
	v23 =	vmul.f32 v25, v25;
	_ =	sdelay $0x1  }
0x12c: {  	v22 =	vadd.f32 v23, v22;
	_ =	sdelay $0x1  }
0x12d: {  	[tilespmem:$0x7AF0] =	vst v22  }
0x12e: {  	v22 =	vld [tilespmem:s15+$0x0]  }
0x12f: {  	v23 =	vld [tilespmem:s15+$0x10]  }
0x130: {  	v24 =	vld [tilespmem:s15+$0x20]  }
0x131: {  	v25 =	vld [tilespmem:s15+$0x30];
	_ =	sdelay $0x1  }
0x132: {  	v22 =	vsub.f32 v22, v18  }
0x133: {  	v23 =	vsub.f32 v23, v19  }
0x134: {  	v24 =	vsub.f32 v24, v20;
	v22 =	vmul.f32 v22, v22  }
0x135: {  	v25 =	vsub.f32 v25, v17;
	v23 =	vmul.f32 v23, v23;
	_ =	sdelay $0x1  }
0x136: {  	v22 =	vadd.f32 v23, v22;
	v23 =	vmul.f32 v24, v24;
	_ =	sdelay $0x1  }
0x137: {  	v22 =	vadd.f32 v23, v22;
	v23 =	vmul.f32 v25, v25;
	_ =	sdelay $0x1  }
0x138: {  	v22 =	vadd.f32 v23, v22;
	_ =	sdelay $0x1  }
0x139: {  	[tilespmem:$0x7B00] =	vst v22  }
0x13a: {  	v22 =	vld [tilespmem:s15+$0x40]  }
0x13b: {  	v23 =	vld [tilespmem:s15+$0x60]  }
0x13c: {  	v24 =	vld [tilespmem:s15+$0x70];
	_ =	sdelay $0x1  }
0x13d: {  	v25 =	vld [tilespmem:s15+$0x50]  }
0x13e: {  	v22 =	vsub.f32 v22, v18  }
0x13f: {  	v23 =	vsub.f32 v23, v20  }
0x140: {  	v24 =	vsub.f32 v24, v17;
	v22 =	vmul.f32 v22, v22;
	_ =	sdelay $0x1  }
0x141: {  	v25 =	vsub.f32 v25, v19;
	_ =	sdelay $0x1  }
0x142: {  	v25 =	vmul.f32 v25, v25;
	_ =	sdelay $0x1  }
0x143: {  	v23 =	vmul.f32 v23, v23;
	v22 =	vadd.f32 v25, v22;
	_ =	sdelay $0x1  }
0x144: {  	v22 =	vadd.f32 v23, v22;
	v23 =	vmul.f32 v24, v24;
	_ =	sdelay $0x1  }
0x145: {  	v22 =	vadd.f32 v23, v22;
	_ =	sdelay $0x1  }
0x146: {  	[tilespmem:$0x7B10] =	vst v22  }
0x147: {  	v22 =	vld [tilespmem:s15+$0x80]  }
0x148: {  	v23 =	vld [tilespmem:s15+$0x90]  }
0x149: {  	v24 =	vld [tilespmem:s15+$0xA0]  }
0x14a: {  	v25 =	vld [tilespmem:s15+$0xB0];
	_ =	sdelay $0x1  }
0x14b: {  	v22 =	vsub.f32 v22, v18  }
0x14c: {  	v23 =	vsub.f32 v23, v19  }
0x14d: {  	v24 =	vsub.f32 v24, v20;
	v22 =	vmul.f32 v22, v22  }
0x14e: {  	v25 =	vsub.f32 v25, v17;
	v23 =	vmul.f32 v23, v23;
	_ =	sdelay $0x1  }
0x14f: {  	v22 =	vadd.f32 v23, v22;
	v23 =	vmul.f32 v24, v24;
	_ =	sdelay $0x1  }
0x150: {  	v22 =	vadd.f32 v23, v22;
	v23 =	vmul.f32 v25, v25;
	_ =	sdelay $0x1  }
0x151: {  	v22 =	vadd.f32 v23, v22;
	_ =	sdelay $0x1  }
0x152: {  	[tilespmem:$0x7B20] =	vst v22  }
0x153: {  	v22 =	vld [tilespmem:s15+$0xC0]  }
0x154: {  	v23 =	vld [tilespmem:s15+$0xD0]  }
0x155: {  	v24 =	vld [tilespmem:s15+$0xE0]  }
0x156: {  	v25 =	vld [tilespmem:s15+$0xF0];
	_ =	sdelay $0x1  }
0x157: {  	v22 =	vsub.f32 v22, v18  }
0x158: {  	v23 =	vsub.f32 v23, v19  }
0x159: {  	v22 =	vmul.f32 v22, v22  }
0x15a: {  	v24 =	vsub.f32 v24, v20;
	v25 =	vsub.f32 v25, v17;
	v23 =	vmul.f32 v23, v23;
	_ =	sdelay $0x1  }
0x15b: {  	v22 =	vadd.f32 v23, v22;
	v23 =	vmul.f32 v24, v24;
	_ =	sdelay $0x1  }
0x15c: {  	v22 =	vadd.f32 v23, v22;
	v23 =	vmul.f32 v25, v25;
	_ =	sdelay $0x1  }
0x15d: {  	v22 =	vadd.f32 v23, v22;
	_ =	sdelay $0x1  }
0x15e: {  	[tilespmem:$0x7B30] =	vst v22  }
0x15f: {  	v22 =	vld [tilespmem:s15+$0x100]  }
0x160: {  	v23 =	vld [tilespmem:s15+$0x110]  }
0x161: {  	v24 =	vld [tilespmem:s15+$0x120]  }
0x162: {  	v25 =	vld [tilespmem:s15+$0x130];
	_ =	sdelay $0x1  }
0x163: {  	v22 =	vsub.f32 v22, v18  }
0x164: {  	v23 =	vsub.f32 v23, v19  }
0x165: {  	v24 =	vsub.f32 v24, v20  }
0x166: {  	v22 =	vmul.f32 v22, v22;
	v25 =	vsub.f32 v25, v17;
	v23 =	vmul.f32 v23, v23;
	_ =	sdelay $0x1  }
0x167: {  	v22 =	vadd.f32 v23, v22;
	v23 =	vmul.f32 v24, v24;
	_ =	sdelay $0x1  }
0x168: {  	v22 =	vadd.f32 v23, v22;
	v23 =	vmul.f32 v25, v25;
	_ =	sdelay $0x1  }
0x169: {  	v22 =	vadd.f32 v23, v22;
	_ =	sdelay $0x1  }
0x16a: {  	[tilespmem:$0x7B40] =	vst v22  }
0x16b: {  	v22 =	vld [tilespmem:s15+$0x140]  }
0x16c: {  	v23 =	vld [tilespmem:s15+$0x150]  }
0x16d: {  	v24 =	vld [tilespmem:s15+$0x160]  }
0x16e: {  	v25 =	vld [tilespmem:s15+$0x170];
	_ =	sdelay $0x2  }
0x16f: {  	v22 =	vsub.f32 v22, v18;
	v23 =	vsub.f32 v23, v19;
	_ =	sdelay $0x1  }
0x170: {  	v24 =	vsub.f32 v24, v20;
	v22 =	vmul.f32 v22, v22;
	v23 =	vmul.f32 v23, v23;
	_ =	sdelay $0x1  }
0x171: {  	v25 =	vsub.f32 v25, v17;
	v22 =	vadd.f32 v23, v22;
	v23 =	vmul.f32 v24, v24;
	_ =	sdelay $0x1  }
0x172: {  	v22 =	vadd.f32 v23, v22;
	v23 =	vmul.f32 v25, v25;
	_ =	sdelay $0x1  }
0x173: {  	v22 =	vadd.f32 v23, v22;
	_ =	sdelay $0x1  }
0x174: {  	[tilespmem:$0x7B50] =	vst v22  }
0x175: {  	v22 =	vld [tilespmem:s15+$0x180]  }
0x176: {  	v23 =	vld [tilespmem:s15+$0x1A0]  }
0x177: {  	v24 =	vld [tilespmem:s15+$0x190]  }
0x178: {  	v25 =	vld [tilespmem:s15+$0x1B0];
	_ =	sdelay $0x1  }
0x179: {  	v22 =	vsub.f32 v22, v18;
	_ =	sdelay $0x1  }
0x17a: {  	v23 =	vsub.f32 v23, v20;
	v24 =	vsub.f32 v24, v19;
	v22 =	vmul.f32 v22, v22  }
0x17b: {  	v25 =	vsub.f32 v25, v17  }
0x17c: {  	v24 =	vmul.f32 v24, v24  }
0x17d: {  	v23 =	vmul.f32 v23, v23  }
0x17e: {  	v22 =	vadd.f32 v24, v22  }
0x17f: {  	s15 =	sadd.s32 $0x400, s15  }
0x180: {  	v22 =	vadd.f32 v23, v22;
	v23 =	vmul.f32 v25, v25;
	_ =	sdelay $0x1  }
0x181: {  	v22 =	vadd.f32 v23, v22;
	_ =	sdelay $0x1  }
0x182: {  	[tilespmem:$0x7B60] =	vst v22  }
0x183: {  	v22 =	vld [tilespmem:s18+$0x1C0]  }
0x184: {  	v23 =	vld [tilespmem:s18+$0x1D0]  }
0x185: {  	v24 =	vld [tilespmem:s18+$0x1F0]  }
0x186: {  	v25 =	vld [tilespmem:s18+$0x1E0];
	s18 =	smov.u32 s15;
	_ =	sdelay $0x1  }
0x187: {  	v22 =	vsub.f32 v22, v18  }
0x188: {  	v23 =	vsub.f32 v23, v19  }
0x189: {  	v24 =	vsub.f32 v24, v17  }
0x18a: {  	v22 =	vmul.f32 v22, v22;
	v25 =	vsub.f32 v25, v20;
	v23 =	vmul.f32 v23, v23;
	_ =	sdelay $0x1  }
0x18b: {  	v22 =	vadd.f32 v23, v22;
	v23 =	vmul.f32 v25, v25;
	_ =	sdelay $0x1  }
0x18c: {  	v22 =	vadd.f32 v23, v22;
	v23 =	vmul.f32 v24, v24;
	_ =	sdelay $0x1  }
0x18d: {  	v22 =	vadd.f32 v23, v22;
	_ =	sdelay $0x1  }
0x18e: {  	[tilespmem:$0x7B70] =	vst v22  }
0x18f: {  	v22 =	vld [tilespmem:s15+$0xFFFFFE30]  }
0x190: {  	v23 =	vld [tilespmem:s15+$0xFFFFFE20]  }
0x191: {  	v24 =	vld [tilespmem:s15+$0xFFFFFE10]  }
0x192: {  	v25 =	vld.idx.msk [tilespmem:v14+s12+$0x0], $0xffff  }
0x193: {  	v26 =	vld.idx.msk [tilespmem:v16+s12+$0x0], $0xffff  }
0x194: {  	v27 =	vld [tilespmem:s15+$0xFFFFFE00]  }
0x195: {  	v28 =	vld.idx.msk [tilespmem:v6+s12+$0x0], $0xffff  }
0x196: {  	v29 =	vld.idx.msk [tilespmem:v1+s12+$0x0], $0xffff  }
0x197: {  	v30 =	vld.idx.msk [tilespmem:v15+s12+$0x0], $0xffff  }
0x198: {  	v31 =	vld.idx.msk [tilespmem:v13+s12+$0x0], $0xffff  }
0x199: {  	v32 =	vld.idx.msk [tilespmem:v12+s12+$0x0], $0xffff  }
0x19a: {  	v33 =	vld.idx.msk [tilespmem:v11+s12+$0x0], $0xffff  }
0x19b: {  	v34 =	vld.idx.msk [tilespmem:v4+s12+$0x0], $0xffff  }
0x19c: {  	v35 =	vld.idx.msk [tilespmem:v10+s12+$0x0], $0xffff  }
0x19d: {  	v27 =	vsub.f32 v27, v18;
	v26 =	vadd.f32 v26, v30;
	v36 =	vld.idx.msk [tilespmem:v8+s12+$0x0], $0xffff  }
0x19e: {  	v24 =	vsub.f32 v24, v19;
	v30 =	vld.idx.msk [tilespmem:v5+s12+$0x0], $0xffff  }
0x19f: {  	v25 =	vadd.f32 v25, v31;
	v37 =	vld.idx.msk [tilespmem:v3+s12+$0x0], $0xffff  }
0x1a0: {  	v24 =	vmul.f32 v24, v24;
	v27 =	vmul.f32 v27, v27;
	v32 =	vadd.f32 v32, v33;
	v31 =	vld.idx.msk [tilespmem:v2+s12+$0x0], $0xffff  }
0x1a1: {  	v23 =	vsub.f32 v23, v20;
	v25 =	vadd.f32 v26, v25;
	v33 =	vld.idx.msk [tilespmem:v9+s12+$0x0], $0xffff  }
0x1a2: {  	v24 =	vadd.f32 v24, v27;
	v26 =	vld.idx.msk [tilespmem:v7+s12+$0x0], $0xffff  }
0x1a3: {  	v22 =	vsub.f32 v22, v17;
	v23 =	vmul.f32 v23, v23  }
0x1a4: {  	v27 =	vadd.f32 v28, v30  }
0x1a5: {  	v22 =	vmul.f32 v22, v22;
	v23 =	vadd.f32 v23, v24;
	v24 =	vadd.f32 v34, v37  }
0x1a6: {  	v28 =	vadd.f32 v31, v29  }
0x1a7: {  	v22 =	vadd.f32 v22, v23;
	v23 =	vadd.f32 v35, v33  }
0x1a8: {  	v26 =	vadd.f32 v36, v26;
	v24 =	vadd.f32 v24, v28  }
0x1a9: {  	[tilespmem:$0x7A80] =	vst v22;
	v22 =	vadd.f32 v32, v23  }
0x1aa: {  	v26 =	vadd.f32 v26, v27;
	v23 =	vld [tilespmem:s15+$0xFFFFFE40]  }
0x1ab: {  	v27 =	vld [tilespmem:s15+$0xFFFFFE50];
	v22 =	vadd.f32 v25, v22  }
0x1ac: {  	v24 =	vadd.f32 v26, v24  }
0x1ad: {  	v26 =	vmov s17;
	s17 =	smov.u32 s20;
	v25 =	vld [tilespmem:s15+$0xFFFFFE60]  }
0x1ae: {  	vm0 =	vgt.u32 v26, v0;
	v22 =	vadd.f32 v22, v24  }
0x1af: {  	v23 =	vsub.f32 v23, v18;
	v24 =	vld [tilespmem:s15+$0xFFFFFE70]  }
0x1b0: {  	v22 =	vnsel vm0, $0x7F800000, v22;
	v26 =	vsub.f32 v27, v19  }
0x1b1: {  	(xrf0) =	vmin.scan.msk.f32 $0xffff, v22  }
0x1b2: {  	v23 =	vmul.f32 v23, v23;
	v25 =	vsub.f32 v25, v20;
	v26 =	vmul.f32 v26, v26;
	_ =	sdelay $0x1  }
0x1b3: {  	v24 =	vsub.f32 v24, v17;
	v23 =	vadd.f32 v26, v23;
	v26 =	vmul.f32 v25, v25;
	_ =	sdelay $0x1  }
0x1b4: {  	v23 =	vadd.f32 v26, v23;
	v24 =	vmul.f32 v24, v24  }
0x1b5: {  	v25, _, _ =	vpop (xrf0)  }
0x1b6: {  	v23 =	vadd.f32 v24, v23;
	(v2sf) =	vpush v25, $0xF;
	_ =	sdelay $0x1  }
0x1b7: {  	[tilespmem:$0x7A90] =	vst v23  }
0x1b8: {  	v23 =	vld [tilespmem:s15+$0xFFFFFE80]  }
0x1b9: {  	v24 =	vld [tilespmem:s15+$0xFFFFFE90];
	_ =	sdelay $0x1  }
0x1ba: {  	v25 =	vld [tilespmem:s15+$0xFFFFFEA0];
	_ =	sdelay $0x1  }
0x1bb: {  	v23 =	vsub.f32 v23, v18;
	v26 =	vld [tilespmem:s15+$0xFFFFFEB0]  }
0x1bc: {  	v24 =	vsub.f32 v24, v19  }
0x1bd: {  	v23 =	vmul.f32 v23, v23  }
0x1be: {  	v25 =	vsub.f32 v25, v20;
	v24 =	vmul.f32 v24, v24;
	_ =	sdelay $0x1  }
0x1bf: {  	v26 =	vsub.f32 v26, v17;
	v23 =	vadd.f32 v24, v23;
	v24 =	vmul.f32 v25, v25;
	_ =	sdelay $0x1  }
0x1c0: {  	v23 =	vadd.f32 v24, v23;
	v24 =	vmul.f32 v26, v26;
	s20 =	spop (v2sf)  }
0x1c1: {  	p1 =	slt.f32 s20, s16  }
0x1c2: {  	v23 =	vadd.f32 v24, v23  }
0x1c3: {  	v24 =	vlaneseq.u32 @p1;
	(xrf1) =	vsort.ascd.msk.f32 @p1 $0xffff, v22, v22  }
0x1c4: {  	[tilespmem:$0x7AA0] =	vst v23;
	v22 =	vmul.u32 @p1 $0xFFFFFFFF, v24  }
0x1c5: {  	v23 =	vld [tilespmem:s15+$0xFFFFFEC0]  }
0x1c6: {  	v24 =	vld [tilespmem:s15+$0xFFFFFED0];
	v22 =	vadd.s32 @p1 $0xF, v22;
	_ =	sdelay $0x1  }
0x1c7: {  	v25 =	vld [tilespmem:s15+$0xFFFFFEE0];
	_ =	sdelay $0x1  }
0x1c8: {  	v23 =	vsub.f32 v23, v18;
	v26 =	vld [tilespmem:s15+$0xFFFFFEF0]  }
0x1c9: {  	v24 =	vsub.f32 v24, v19  }
0x1ca: {  	v23 =	vmul.f32 v23, v23  }
.Ltmp0:
0x1cb: {  	v25 =	vsub.f32 v25, v20;
	v24 =	vmul.f32 v24, v24;
	(pc) =	sbr.rel @p0 .LBB2_2-.Ltmp0, $3  }
0x1cc: {  	_ = 	snop  }
0x1cd: {  	v26 =	vsub.f32 v26, v17;
	v27 =	vadd.f32 v24, v23;
	v24 =	vmul.f32 v25, v25;
	_ =	sdelay $0x1  }
0x1ce: {  	v24 =	vadd.f32 v24, v27;
	v25 =	vmul.f32 v26, v26;
	v23, _, _ =	vpop @p1 (xrf1)  }
0x1cf: {  	_ = 	snop  }
0x1d0: {  	v24 =	vadd.f32 v25, v24;
	_ =	sdelay $0x1  }
0x1d1: {  	[tilespmem:$0x7AB0] =	vst v24  }
0x1d2: {  	v24 =	vld [tilespmem:s15+$0xFFFFFF00]  }
0x1d3: {  	v63 =	vld [tilespmem:s15+$0xFFFFFF10];
	_ =	sdelay $0x1  }
0x1d4: {  	v26 =	vld [tilespmem:s15+$0xFFFFFF20];
	_ =	sdelay $0x1  }
0x1d5: {  	v27 =	vld [tilespmem:s15+$0xFFFFFF30]  }
0x1d6: {  	v24 =	vsub.f32 v24, v18;
	v25 =	vsub.f32 v63, v19;
	_ =	sdelay $0x1  }
0x1d7: {  	v26 =	vsub.f32 v26, v20;
	v24 =	vmul.f32 v24, v24;
	v25 =	vmul.f32 v25, v25;
	_ =	sdelay $0x1  }
0x1d8: {  	v27 =	vsub.f32 v27, v17;
	v29 =	vmul.f32 v26, v26;
	v24 =	vadd.f32 v25, v24;
	_ =	sdelay $0x1  }
0x1d9: {  	v30 =	vmul.f32 v27, v27;
	v24 =	vadd.f32 v29, v24;
	_ =	sdelay $0x1  }
0x1da: {  	v24 =	vadd.f32 v30, v24;
	_ =	sdelay $0x1  }
0x1db: {  	[tilespmem:$0x7AC0] =	vst v24  }
0x1dc: {  	v24 =	vld [tilespmem:s15+$0xFFFFFF40]  }
0x1dd: {  	v31 =	vld [tilespmem:s15+$0xFFFFFF50];
	_ =	sdelay $0x1  }
0x1de: {  	v32 =	vld [tilespmem:s15+$0xFFFFFF60];
	_ =	sdelay $0x1  }
0x1df: {  	v33 =	vld [tilespmem:s15+$0xFFFFFF70]  }
0x1e0: {  	v24 =	vsub.f32 v24, v18;
	v25 =	vsub.f32 v31, v19;
	_ =	sdelay $0x1  }
0x1e1: {  	v26 =	vsub.f32 v32, v20;
	v24 =	vmul.f32 v24, v24;
	v25 =	vmul.f32 v25, v25;
	_ =	sdelay $0x1  }
0x1e2: {  	v27 =	vsub.f32 v33, v17;
	v34 =	vmul.f32 v26, v26;
	v24 =	vadd.f32 v25, v24;
	_ =	sdelay $0x1  }
0x1e3: {  	v35 =	vmul.f32 v27, v27;
	v24 =	vadd.f32 v34, v24;
	_ =	sdelay $0x1  }
0x1e4: {  	v24 =	vadd.f32 v35, v24;
	_ =	sdelay $0x1  }
0x1e5: {  	[tilespmem:$0x7AD0] =	vst v24  }
0x1e6: {  	v24 =	vld [tilespmem:s15+$0xFFFFFF80]  }
0x1e7: {  	v36 =	vld [tilespmem:s15+$0xFFFFFF90];
	_ =	sdelay $0x1  }
0x1e8: {  	v37 =	vld [tilespmem:s15+$0xFFFFFFA0];
	_ =	sdelay $0x1  }
0x1e9: {  	v38 =	vld [tilespmem:s15+$0xFFFFFFB0]  }
0x1ea: {  	v24 =	vsub.f32 v24, v18;
	v25 =	vsub.f32 v36, v19;
	_ =	sdelay $0x1  }
0x1eb: {  	v26 =	vsub.f32 v37, v20;
	v24 =	vmul.f32 v24, v24;
	v25 =	vmul.f32 v25, v25;
	_ =	sdelay $0x1  }
0x1ec: {  	v27 =	vsub.f32 v38, v17;
	v39 =	vmul.f32 v26, v26;
	v24 =	vadd.f32 v25, v24;
	_ =	sdelay $0x1  }
0x1ed: {  	v40 =	vmul.f32 v27, v27;
	v24 =	vadd.f32 v39, v24;
	_ =	sdelay $0x1  }
0x1ee: {  	v24 =	vadd.f32 v40, v24;
	_ =	sdelay $0x1  }
0x1ef: {  	[tilespmem:$0x7AE0] =	vst v24  }
0x1f0: {  	v24 =	vld [tilespmem:s15+$0xFFFFFFC0]  }
0x1f1: {  	v41 =	vld [tilespmem:s15+$0xFFFFFFD0];
	_ =	sdelay $0x1  }
0x1f2: {  	v42 =	vld [tilespmem:s15+$0xFFFFFFE0];
	_ =	sdelay $0x1  }
0x1f3: {  	v43 =	vld [tilespmem:s15+$0xFFFFFFF0]  }
0x1f4: {  	v24 =	vsub.f32 v24, v18;
	v25 =	vsub.f32 v41, v19;
	_ =	sdelay $0x1  }
0x1f5: {  	v26 =	vsub.f32 v42, v20;
	v24 =	vmul.f32 v24, v24;
	v25 =	vmul.f32 v25, v25;
	_ =	sdelay $0x1  }
0x1f6: {  	v27 =	vsub.f32 v43, v17;
	v44 =	vmul.f32 v26, v26;
	v24 =	vadd.f32 v25, v24;
	_ =	sdelay $0x1  }
0x1f7: {  	v45 =	vmul.f32 v27, v27;
	v24 =	vadd.f32 v44, v24;
	_ =	sdelay $0x1  }
0x1f8: {  	v24 =	vadd.f32 v45, v24;
	_ =	sdelay $0x1  }
0x1f9: {  	[tilespmem:$0x7AF0] =	vst v24  }
0x1fa: {  	v24 =	vld [tilespmem:s15+$0x0]  }
0x1fb: {  	v46 =	vld [tilespmem:s15+$0x10];
	_ =	sdelay $0x1  }
0x1fc: {  	v47 =	vld [tilespmem:s15+$0x20];
	_ =	sdelay $0x1  }
0x1fd: {  	v48 =	vld [tilespmem:s15+$0x30]  }
0x1fe: {  	v24 =	vsub.f32 v24, v18;
	v25 =	vsub.f32 v46, v19;
	_ =	sdelay $0x1  }
0x1ff: {  	v26 =	vsub.f32 v47, v20;
	v24 =	vmul.f32 v24, v24;
	v25 =	vmul.f32 v25, v25;
	_ =	sdelay $0x1  }
0x200: {  	v27 =	vsub.f32 v48, v17;
	v49 =	vmul.f32 v26, v26;
	v24 =	vadd.f32 v25, v24;
	_ =	sdelay $0x1  }
0x201: {  	v50 =	vmul.f32 v27, v27;
	v24 =	vadd.f32 v49, v24;
	_ =	sdelay $0x1  }
0x202: {  	v24 =	vadd.f32 v50, v24;
	_ =	sdelay $0x1  }
0x203: {  	[tilespmem:$0x7B00] =	vst v24  }
0x204: {  	v24 =	vld [tilespmem:s15+$0x40]  }
0x205: {  	v51 =	vld [tilespmem:s15+$0x50];
	_ =	sdelay $0x1  }
0x206: {  	v52 =	vld [tilespmem:s15+$0x60];
	_ =	sdelay $0x1  }
0x207: {  	v53 =	vld [tilespmem:s15+$0x70]  }
0x208: {  	v24 =	vsub.f32 v24, v18;
	v25 =	vsub.f32 v51, v19;
	_ =	sdelay $0x1  }
0x209: {  	v26 =	vsub.f32 v52, v20;
	v24 =	vmul.f32 v24, v24;
	v25 =	vmul.f32 v25, v25;
	_ =	sdelay $0x1  }
0x20a: {  	v27 =	vsub.f32 v53, v17;
	v54 =	vmul.f32 v26, v26;
	v24 =	vadd.f32 v25, v24;
	_ =	sdelay $0x1  }
0x20b: {  	v55 =	vmul.f32 v27, v27;
	v24 =	vadd.f32 v54, v24;
	_ =	sdelay $0x1  }
0x20c: {  	v24 =	vadd.f32 v55, v24;
	_ =	sdelay $0x1  }
0x20d: {  	[tilespmem:$0x7B10] =	vst v24  }
0x20e: {  	v24 =	vld [tilespmem:s15+$0x80]  }
0x20f: {  	v56 =	vld [tilespmem:s15+$0x90];
	_ =	sdelay $0x1  }
0x210: {  	v57 =	vld [tilespmem:s15+$0xA0];
	_ =	sdelay $0x1  }
0x211: {  	v58 =	vld [tilespmem:s15+$0xB0]  }
0x212: {  	v24 =	vsub.f32 v24, v18;
	v25 =	vsub.f32 v56, v19;
	_ =	sdelay $0x1  }
0x213: {  	v26 =	vsub.f32 v57, v20;
	v24 =	vmul.f32 v24, v24;
	v25 =	vmul.f32 v25, v25;
	_ =	sdelay $0x1  }
0x214: {  	v27 =	vsub.f32 v58, v17;
	v59 =	vmul.f32 v26, v26;
	v24 =	vadd.f32 v25, v24;
	_ =	sdelay $0x1  }
0x215: {  	v60 =	vmul.f32 v27, v27;
	v24 =	vadd.f32 v59, v24;
	_ =	sdelay $0x1  }
0x216: {  	v24 =	vadd.f32 v60, v24;
	_ =	sdelay $0x1  }
0x217: {  	[tilespmem:$0x7B20] =	vst v24  }
0x218: {  	v24 =	vld [tilespmem:s15+$0xC0]  }
0x219: {  	v61 =	vld [tilespmem:s15+$0xD0];
	_ =	sdelay $0x1  }
0x21a: {  	v62 =	vld [tilespmem:s15+$0xE0];
	_ =	sdelay $0x1  }
0x21b: {  	v63 =	vld [tilespmem:s15+$0xF0]  }
0x21c: {  	v24 =	vsub.f32 v24, v18;
	v25 =	vsub.f32 v61, v19;
	_ =	sdelay $0x1  }
0x21d: {  	v26 =	vsub.f32 v62, v20;
	v24 =	vmul.f32 v24, v24;
	v25 =	vmul.f32 v25, v25;
	_ =	sdelay $0x1  }
0x21e: {  	v27 =	vsub.f32 v63, v17;
	v29 =	vmul.f32 v26, v26;
	v24 =	vadd.f32 v25, v24;
	_ =	sdelay $0x1  }
0x21f: {  	v30 =	vmul.f32 v27, v27;
	v24 =	vadd.f32 v29, v24;
	_ =	sdelay $0x1  }
0x220: {  	v24 =	vadd.f32 v30, v24;
	_ =	sdelay $0x1  }
0x221: {  	[tilespmem:$0x7B30] =	vst v24  }
0x222: {  	v24 =	vld [tilespmem:s15+$0x100]  }
0x223: {  	v31 =	vld [tilespmem:s15+$0x110];
	_ =	sdelay $0x1  }
0x224: {  	v32 =	vld [tilespmem:s15+$0x120];
	_ =	sdelay $0x1  }
0x225: {  	v33 =	vld [tilespmem:s15+$0x130]  }
0x226: {  	v24 =	vsub.f32 v24, v18;
	v25 =	vsub.f32 v31, v19;
	_ =	sdelay $0x1  }
0x227: {  	v26 =	vsub.f32 v32, v20;
	v24 =	vmul.f32 v24, v24;
	v25 =	vmul.f32 v25, v25;
	_ =	sdelay $0x1  }
0x228: {  	v27 =	vsub.f32 v33, v17;
	v34 =	vmul.f32 v26, v26;
	v24 =	vadd.f32 v25, v24;
	_ =	sdelay $0x1  }
0x229: {  	v35 =	vmul.f32 v27, v27;
	v24 =	vadd.f32 v34, v24;
	_ =	sdelay $0x1  }
0x22a: {  	v24 =	vadd.f32 v35, v24;
	_ =	sdelay $0x1  }
0x22b: {  	[tilespmem:$0x7B40] =	vst v24  }
0x22c: {  	v24 =	vld [tilespmem:s15+$0x140]  }
0x22d: {  	v36 =	vld [tilespmem:s15+$0x150];
	_ =	sdelay $0x1  }
0x22e: {  	v37 =	vld [tilespmem:s15+$0x160];
	_ =	sdelay $0x1  }
0x22f: {  	v38 =	vld [tilespmem:s15+$0x170]  }
0x230: {  	v24 =	vsub.f32 v24, v18;
	v25 =	vsub.f32 v36, v19;
	_ =	sdelay $0x1  }
0x231: {  	v26 =	vsub.f32 v37, v20;
	v24 =	vmul.f32 v24, v24;
	v25 =	vmul.f32 v25, v25;
	_ =	sdelay $0x1  }
0x232: {  	v27 =	vsub.f32 v38, v17;
	v39 =	vmul.f32 v26, v26;
	v24 =	vadd.f32 v25, v24;
	_ =	sdelay $0x1  }
0x233: {  	v40 =	vmul.f32 v27, v27;
	v24 =	vadd.f32 v39, v24;
	_ =	sdelay $0x1  }
0x234: {  	v24 =	vadd.f32 v40, v24;
	_ =	sdelay $0x1  }
0x235: {  	[tilespmem:$0x7B50] =	vst v24  }
0x236: {  	v24 =	vld [tilespmem:s15+$0x180]  }
0x237: {  	v41 =	vld [tilespmem:s15+$0x190];
	_ =	sdelay $0x1  }
0x238: {  	v42 =	vld [tilespmem:s15+$0x1A0];
	_ =	sdelay $0x1  }
0x239: {  	v43 =	vld [tilespmem:s15+$0x1B0]  }
0x23a: {  	v24 =	vsub.f32 v24, v18;
	v25 =	vsub.f32 v41, v19;
	_ =	sdelay $0x1  }
0x23b: {  	v26 =	vsub.f32 v42, v20;
	v24 =	vmul.f32 v24, v24;
	v25 =	vmul.f32 v25, v25;
	_ =	sdelay $0x1  }
0x23c: {  	v27 =	vsub.f32 v43, v17;
	v26 =	vmul.f32 v26, v26;
	v24 =	vadd.f32 v25, v24;
	_ =	sdelay $0x1  }
0x23d: {  	v44 =	vmul.f32 v27, v27;
	v24 =	vadd.f32 v26, v24;
	_ =	sdelay $0x1  }
0x23e: {  	v24 =	vadd.f32 v44, v24;
	_ =	sdelay $0x1  }
0x23f: {  	[tilespmem:$0x7B60] =	vst v24  }
0x240: {  	v24 =	vld [tilespmem:s18+$0x1C0]  }
0x241: {  	v45 =	vld [tilespmem:s18+$0x1D0];
	_ =	sdelay $0x1  }
0x242: {  	v46 =	vld [tilespmem:s18+$0x1E0];
	_ =	sdelay $0x1  }
0x243: {  	v47 =	vld [tilespmem:s18+$0x1F0]  }
0x244: {  	v18 =	vsub.f32 v24, v18;
	v19 =	vsub.f32 v45, v19;
	_ =	sdelay $0x1  }
0x245: {  	v48 =	vsub.f32 v46, v20;
	v18 =	vmul.f32 v18, v18;
	v19 =	vmul.f32 v19, v19;
	_ =	sdelay $0x1  }
0x246: {  	v17 =	vsub.f32 v47, v17;
	v18 =	vadd.f32 v19, v18;
	v19 =	vmul.f32 v48, v48;
	_ =	sdelay $0x1  }
0x247: {  	v17 =	vmul.f32 v17, v17;
	v18 =	vadd.f32 v19, v18;
	_ =	sdelay $0x1  }
0x248: {  	v17 =	vadd.f32 v17, v18;
	_ =	sdelay $0x1  }
0x249: {  	[tilespmem:$0x7B70] =	vst v17  }
0x24a: {  	v17 =	vld.idx.msk [tilespmem:v14+s12+$0x0], $0xffff  }
0x24b: {  	v18 =	vld.idx.msk [tilespmem:v16+s12+$0x0], $0xffff  }
0x24c: {  	v19 =	vld.idx.msk [tilespmem:v6+s12+$0x0], $0xffff  }
0x24d: {  	v49 =	vld.idx.msk [tilespmem:v1+s12+$0x0], $0xffff  }
0x24e: {  	v50 =	vld.idx.msk [tilespmem:v15+s12+$0x0], $0xffff  }
0x24f: {  	v51 =	vld.idx.msk [tilespmem:v13+s12+$0x0], $0xffff  }
0x250: {  	v52 =	vld.idx.msk [tilespmem:v12+s12+$0x0], $0xffff  }
0x251: {  	v53 =	vld.idx.msk [tilespmem:v11+s12+$0x0], $0xffff  }
0x252: {  	v28 =	vld.idx.msk [tilespmem:v4+s12+$0x0], $0xffff  }
0x253: {  	v29 =	vld.idx.msk [tilespmem:v10+s12+$0x0], $0xffff  }
0x254: {  	v22 =	vperm.xlane @p1 v23, v22;
	v54 =	vld.idx.msk [tilespmem:v8+s12+$0x0], $0xffff  }
0x255: {  	v30 =	vld.idx.msk [tilespmem:v5+s12+$0x0], $0xffff  }
0x256: {  	v22 =	vmin.f32 @p1 v21, v22;
	v31 =	vld.idx.msk [tilespmem:v3+s12+$0x0], $0xffff  }
0x257: {  	(xrf1) =	vsort.ascd.msk.f32 @p1 $0xffff, v22, v22;
	v55 =	vld.idx.msk [tilespmem:v2+s12+$0x0], $0xffff  }
0x258: {  	v33 =	vld.idx.msk [tilespmem:v7+s12+$0x0], $0xffff  }
0x259: {  	v32 =	vld.idx.msk [tilespmem:v9+s12+$0x0], $0xffff  }
0x25a: {  	v18 =	vadd.f32 v18, v50  }
0x25b: {  	v17 =	vadd.f32 v17, v51;
	v56 =	vadd.f32 v52, v53  }
0x25c: {  	v19 =	vadd.f32 v19, v30;
	v57 =	vadd.f32 v28, v31  }
0x25d: {  	v20 =	vadd.f32 v55, v49;
	v23 =	vadd.f32 v54, v33  }
0x25e: {  	v58 =	vadd.f32 v29, v32;
	v17 =	vadd.f32 v18, v17  }
0x25f: {  	v18 =	vadd.f32 v57, v20;
	v19 =	vadd.f32 v23, v19  }
0x260: {  	v59 =	vadd.f32 v56, v58  }
0x261: {  	v18 =	vadd.f32 v19, v18  }
0x262: {  	v17 =	vadd.f32 v17, v59;
	_ =	sdelay $0x1  }
0x263: {  	v19 =	vmov s17;
	v17 =	vadd.f32 v17, v18  }
0x264: {  	vm0 =	vgt.u32 v19, v0;
	v18, _, _ =	vpop @p1 (xrf1)  }
0x265: {  	v17 =	vnsel vm0, $0x7F800000, v17;
	(xrf0) =	vmax.scan.msk.f32 @p1 $0xffff, v18  }
0x266: {  	(xrf0) =	vmin.scan.msk.f32 $0xffff, v17;
	_ =	sdelay $0x4  }
0x267: {  	v19, _, _ =	vpop @p1 (xrf0)  }
0x268: {  	(v2sf) =	vpush @p1 v19, $0xF;
	v19, _, _ =	vpop (xrf0)  }
0x269: {  	(v2sf) =	vpush v19, $0xF;
	_ =	sdelay $0xd  }
0x26a: {  	s15 =	spop @p1 (v2sf)  }
0x26b: {  	s16 =	smov.u32 @p1 s15;
	s28 =	spop (v2sf)  }
0x26c: {  	p0 =	slt.f32 s28, s16;
	_ =	sdelay $0x1  }
0x26d: {  	(xrf1) =	vsort.ascd.msk.f32 @p0 $0xffff, v17, v17;
	_ =	sdelay $0xa  }
0x26e: {  	v17 =	vlaneseq.u32 @p0  }
0x26f: {  	v17 =	vmul.u32 @p0 $0xFFFFFFFF, v17;
	_ =	sdelay $0x1  }
0x270: {  	v17 =	vadd.s32 @p0 $0xF, v17;
	v19, _, _ =	vpop @p0 (xrf1)  }
0x271: {  	v17 =	vperm.xlane @p0 v19, v17  }
0x272: {  	v18 =	vpsel p1, v18, v21  }
0x273: {  	v17 =	vmin.f32 @p0 v18, v17  }
0x274: {  	(xrf1) =	vsort.ascd.msk.f32 @p0 $0xffff, v17, v17;
	_ =	sdelay $0xd  }
0x275: {  	v17, _, _ =	vpop @p0 (xrf1)  }
0x276: {  	(xrf0) =	vmax.scan.msk.f32 @p0 $0xffff, v17;
	_ =	sdelay $0x5  }
0x277: {  	v19, _, _ =	vpop @p0 (xrf0)  }
0x278: {  	(v2sf) =	vpush @p0 v19, $0xF;
	_ =	sdelay $0xb  }
0x279: {  	v17 =	vpsel p0, v17, v18  }
0x27a: {  	[tilespmem:$0x7C00] =	vst v17  }
0x27b: {  	[hbm4b:s5+s3] =	stream.linear.scatter [tilespmem:s13], [sflag:$0x1], $0x80, $0x38;
	[tilespmem:$0x7C80] =	vst v63  }
0x27c: {  	s15 =	spop @p0 (v2sf)  }
0x27d: {  	_ =	swait.ge [sflag:s11], $0x80  }
0x27e: {  	[sflag:s11] =	ssyncset.done $0x0  }
0x27f: {  	[sflag:s11] =	ssyncadd.s32 $0xFFFFFF80  }
0x280: {  	[tilespmem:s3], [sflag:$0x1] =	stream.linear.gather [hbm4b:s6+s3], $0x7A20, $0x38;
	[tilespmem:$0x7C80] =	vst v63  }
0x281: {  	_ =	swait.ge [sflag:s11], $0x7A20  }
0x282: {  	[sflag:s11] =	ssyncset.done $0x0  }
0x283: {  	[sflag:s11] =	ssyncadd.s32 $0xFFFF85E0  }
0x284: {  	v17 =	vld [tilespmem:s9+$0xFFFFFFF0]  }
0x285: {  	v18 =	vld [tilespmem:s9+$0x0]  }
0x286: {  	v19 =	vld [tilespmem:s9+$0x10]  }
0x287: {  	v20 =	vld [tilespmem:s9+$0xFFFFFFE0]  }
0x288: {  	s29 =	simm.s32 $0x7A02;
	s30 =	simm.s32 $0x79F2;
	s15 =	simm.s32 $0x79E2  }
0x289: {  	v60 =	vmov s29;
	v61 =	vmov s30;
	v62 =	vmov s15  }
0x28a: {  	vm15 =	vgt.u32 v60, v0;
	vm1 =	vgt.s32 v61, v0;
	vm2 =	vgt.s32 v62, v0  }
0x28b: {  	v21 =	vnsel vm15, $0x7F800000, v17;
	v18 =	vnsel vm1, $0x7F800000, v18;
	v19 =	vnsel vm2, $0x7F800000, v19  }
0x28c: {  	v17 =	vmin.f32 v20, v21;
	v63 =	vmin.f32 v18, v19  }
0x28d: {  	v17 =	vmin.f32 v17, v63  }
0x28e: {  	(xrf0) =	vmin.scan.msk.f32 $0xffff, v17;
	_ =	sdelay $0x5  }
0x28f: {  	v17, _, _ =	vpop (xrf0)  }
0x290: {  	(v2sf) =	vpush v17, $0xF;
	_ =	sdelay $0xe  }
0x291: {  	s15 =	simm.f32 $+Inf;
	s31 =	spop (v2sf)  }
0x292: {  	p0 =	slt.f32 s31, s15;
	_ =	sdelay $0x1  }
0x293: {  	(xrf1) =	vsort.ascd.msk.f32 @p0 $0xffff, v20, v20;
	_ =	sdelay $0x8  }
0x294: {  	v17 =	vlaneseq.u32 @p0  }
0x295: {  	v17 =	vmul.u32 @p0 $0xFFFFFFFF, v17;
	_ =	sdelay $0x3  }
0x296: {  	v20 =	vadd.s32 @p0 $0xF, v17;
	v17, _, _ =	vpop @p0 (xrf1)  }
0x297: {  	v22 =	vperm.xlane @p0 v17, v20  }
0x298: {  	(xrf1) =	vsort.ascd.msk.f32 @p0 $0xffff, v21, v21;
	v17 =	vimm.f32 $+Inf  }
0x299: {  	v21 =	vmin.f32 @p0 v17, v22  }
0x29a: {  	(xrf1) =	vsort.ascd.msk.f32 @p0 $0xffff, v21, v21;
	_ =	sdelay $0xb  }
0x29b: {  	v21, _, _ =	vpop @p0 (xrf1)  }
0x29c: {  	v21 =	vperm.xlane @p0 v21, v20  }
0x29d: {  	(xrf1) =	vsort.ascd.msk.f32 @p0 $0xffff, v18, v18;
	v22, _, _ =	vpop @p0 (xrf1)  }
0x29e: {  	v18 =	vmin.f32 @p0 v22, v21  }
0x29f: {  	(xrf1) =	vsort.ascd.msk.f32 @p0 $0xffff, v18, v18;
	_ =	sdelay $0xb  }
0x2a0: {  	v18, _, _ =	vpop @p0 (xrf1)  }
0x2a1: {  	v18 =	vperm.xlane @p0 v18, v20  }
0x2a2: {  	(xrf1) =	vsort.ascd.msk.f32 @p0 $0xffff, v19, v19;
	v21, _, _ =	vpop @p0 (xrf1)  }
0x2a3: {  	v18 =	vmin.f32 @p0 v21, v18  }
0x2a4: {  	(xrf1) =	vsort.ascd.msk.f32 @p0 $0xffff, v18, v18;
	_ =	sdelay $0xb  }
0x2a5: {  	v18, _, _ =	vpop @p0 (xrf1)  }
0x2a6: {  	v18 =	vperm.xlane @p0 v18, v20  }
0x2a7: {  	v19, _, _ =	vpop @p0 (xrf1)  }
0x2a8: {  	v18 =	vmin.f32 @p0 v19, v18  }
0x2a9: {  	(xrf1) =	vsort.ascd.msk.f32 @p0 $0xffff, v18, v18;
	_ =	sdelay $0x4  }
0x2aa: {  	s17 =	sadd.s32 $0x40, s9;
	s16 =	simm.s32 $0x79A2  }
.LBB2_4:
0x2ab: {  	v18 =	vld [tilespmem:s17+$0xFFFFFFF0];
	s18 =	smov.u32 s16  }
0x2ac: {  	v19 =	vld [tilespmem:s17+$0x0]  }
0x2ad: {  	s16 =	sadd.s32 $0xFFFFFFC0, s16;
	v20 =	vld [tilespmem:s17+$0x10]  }
0x2ae: {  	p1 =	sne.s32 s16, $0xFFFFFFA2;
	v21 =	vld [tilespmem:s17+$0xFFFFFFE0]  }
0x2af: {  	s19 =	sadd.s32 $0x20, s18;
	s20 =	sadd.s32 $0x10, s18  }
0x2b0: {  	v24 =	vmov s18;
	v22 =	vmov s19;
	v23 =	vmov s20  }
0x2b1: {  	vm2 =	vgt.s32 v24, v0;
	vm0 =	vgt.u32 v22, v0;
	vm1 =	vgt.s32 v23, v0  }
0x2b2: {  	v18 =	vnsel vm0, $0x7F800000, v18;
	v19 =	vnsel vm1, $0x7F800000, v19;
	v20 =	vnsel vm2, $0x7F800000, v20  }
0x2b3: {  	v22 =	vmin.f32 v21, v18;
	v23 =	vmin.f32 v19, v20;
	v24, _, _ =	vpop @p0 (xrf1)  }
0x2b4: {  	v22 =	vmin.f32 v22, v23;
	v17 =	vpsel p0, v24, v17;
	(xrf0) =	vmax.scan.msk.f32 @p0 $0xffff, v24  }
0x2b5: {  	(xrf0) =	vmin.scan.msk.f32 $0xffff, v22;
	_ =	sdelay $0x4  }
0x2b6: {  	v22, _, _ =	vpop @p0 (xrf0)  }
0x2b7: {  	v23, _, _ =	vpop (xrf0);
	(v2sf) =	vpush @p0 v22, $0xF  }
0x2b8: {  	(v2sf) =	vpush v23, $0xF;
	_ =	sdelay $0xd  }
0x2b9: {  	s18 =	spop @p0 (v2sf)  }
0x2ba: {  	s19 =	spop (v2sf);
	s15 =	smov.u32 @p0 s18  }
0x2bb: {  	p0 =	slt.f32 s19, s15;
	_ =	sdelay $0x1  }
0x2bc: {  	(xrf1) =	vsort.ascd.msk.f32 @p0 $0xffff, v21, v21;
	_ =	sdelay $0xa  }
0x2bd: {  	v21 =	vlaneseq.u32 @p0  }
0x2be: {  	v21 =	vmul.u32 @p0 $0xFFFFFFFF, v21;
	_ =	sdelay $0x1  }
0x2bf: {  	v21 =	vadd.s32 @p0 $0xF, v21;
	v22, _, _ =	vpop @p0 (xrf1)  }
0x2c0: {  	v22 =	vperm.xlane @p0 v22, v21  }
0x2c1: {  	(xrf1) =	vsort.ascd.msk.f32 @p0 $0xffff, v18, v18  }
0x2c2: {  	v18 =	vmin.f32 @p0 v17, v22  }
0x2c3: {  	(xrf1) =	vsort.ascd.msk.f32 @p0 $0xffff, v18, v18;
	_ =	sdelay $0xb  }
0x2c4: {  	v18, _, _ =	vpop @p0 (xrf1)  }
0x2c5: {  	v18 =	vperm.xlane @p0 v18, v21  }
0x2c6: {  	v22, _, _ =	vpop @p0 (xrf1);
	(xrf1) =	vsort.ascd.msk.f32 @p0 $0xffff, v19, v19  }
0x2c7: {  	v18 =	vmin.f32 @p0 v22, v18  }
0x2c8: {  	(xrf1) =	vsort.ascd.msk.f32 @p0 $0xffff, v18, v18;
	_ =	sdelay $0xb  }
0x2c9: {  	v18, _, _ =	vpop @p0 (xrf1)  }
0x2ca: {  	v18 =	vperm.xlane @p0 v18, v21  }
0x2cb: {  	v19, _, _ =	vpop @p0 (xrf1);
	(xrf1) =	vsort.ascd.msk.f32 @p0 $0xffff, v20, v20  }
0x2cc: {  	v18 =	vmin.f32 @p0 v19, v18  }
0x2cd: {  	(xrf1) =	vsort.ascd.msk.f32 @p0 $0xffff, v18, v18;
	_ =	sdelay $0xb  }
0x2ce: {  	v18, _, _ =	vpop @p0 (xrf1)  }
0x2cf: {  	v18 =	vperm.xlane @p0 v18, v21  }
0x2d0: {  	v19, _, _ =	vpop @p0 (xrf1)  }
0x2d1: {  	v18 =	vmin.f32 @p0 v19, v18  }
0x2d2: {  	(xrf1) =	vsort.ascd.msk.f32 @p0 $0xffff, v18, v18  }
.Ltmp1:
0x2d3: {  	(pc) =	sbr.rel @p1 .LBB2_4-.Ltmp1, $2  }
0x2d4: {  	_ =	sdelay $0x2  }
0x2d5: {  	s17 =	sadd.s32 $0x40, s17  }
0x2d6: {  	_ =	sdelay $0x7  }
0x2d7: {  	v18, _, _ =	vpop @p0 (xrf1)  }
0x2d8: {  	(xrf0) =	vmax.scan.msk.f32 @p0 $0xffff, v18;
	_ =	sdelay $0x5  }
0x2d9: {  	v19, _, _ =	vpop @p0 (xrf0)  }
0x2da: {  	(v2sf) =	vpush @p0 v19, $0xF;
	_ =	sdelay $0xd  }
0x2db: {  	s14 =	sadd.s32 $0x1, s14  }
0x2dc: {  	v17 =	vpsel p0, v18, v17;
	s15 =	spop @p0 (v2sf);
	p0 =	sne.s32 s14, s8  }
.Ltmp2:
0x2dd: {  	[tilespmem:$0x7C00] =	vst v17;
	(pc) =	sbr.rel @p0 .LBB2_1-.Ltmp2, $4  }
0x2de: {  	[hbm4b:s7+s3] =	stream.linear.scatter [tilespmem:s13], [sflag:$0x1], $0x80, $0x38;
	[tilespmem:$0x7C80] =	vst v63  }
0x2df: {  	_ =	swait.ge [sflag:s11], $0x80  }
0x2e0: {  	[sflag:s11] =	ssyncset.done $0x0  }
0x2e1: {  	[sflag:s11] =	ssyncadd.s32 $0xFFFFFF80  }
0x2e2: {  	_ =	sfence.sel $0x180000  }
0x2e3: {  	[bflag:$0x0] =	sbarrier.arrive $0xFFFF  }
0x2e4: {  	p0 =	sne.s32 s0, $0x0;
	_ =	strace $0x90000047  }
0x2e5: {  	s0 =	sadd.s32 @!p0 $0x100000, s1;
	[bflag:$0x2] =	sbarrier.arrive $0xFFFF  }
0x2e6: {  	[sflag:s0] =	ssyncadd.tile.s32 @!p0 $0x1;
	_ =	shalt  }
.Lfunc_end2:
_tile_overlayer_lowered:
.L_overlay_start_2:
0x2e7: {  	(tag) =	ssettag $0x2  }
0x2e8: {  	s0 =	rddreg [dreg:$0x0];
	s2 =	stileid.u32  }
0x2e9: {  	s1 =	rddreg [dreg:$0x1];
	p0 =	sne.s32 s2, $0x0  }
0x2ea: {  	s3 =	rddreg [dreg:$0x2];
	[bflag:$0x3] =	sbarrier.arrive $0xFFFF;
	s2 =	simm.s32 @!p0 $0x1C01  }
0x2eb: {  	[timem:s3], [sflag:s2] =	dma.local @!p0 [hbm:s0], s1  }
0x2ec: {  	s0 =	simm.s32 @!p0 $0x1  }
0x2ed: {  	_ =	swait.ge @!p0 [sflag:s0], s1  }
0x2ee: {  	s1 =	ssub.s32 @!p0 $0x0, s1;
	[sflag:s0] =	ssyncset.done @!p0 $0x0  }
0x2ef: {  	[sflag:s0] =	ssyncadd.s32 @!p0 s1  }
0x2f0: {  	[bflag:$0x3] =	sbarrier.arrive $0xFFFF  }
0x2f1: {  	_ =	shalt  }

</sc_bundles>
